<compile_context>
chip_gen: v7x
topology: tpu7x:2x2x1
jax: 0.10.2.dev20260603
libtpu: 0.0.44.dev20260713+nightly
codegen_flags: <defaults>
</compile_context>

<pallas_src>
import functools

import jax
import jax.numpy as jnp
from jax import lax
from jax.experimental import pallas as pl
from jax.experimental.pallas import tpu as pltpu
from jax.experimental.pallas import tpu_sc as plsc

_NC = 2
_NS = 16
_NW = _NC * _NS
_C = 1600


def _emb_call(total, D):
    C = _C
    b_per_w = total // _NW
    n_chunks = b_per_w // C
    assert b_per_w % C == 0 and n_chunks >= 8 and n_chunks % 4 == 0
    mesh = plsc.VectorSubcoreMesh(core_axis_name="c", subcore_axis_name="s",
                                  num_cores=_NC, num_subcores=_NS)

    @functools.partial(
        pl.kernel,
        out_type=jax.ShapeDtypeStruct((total, D), jnp.float32),
        mesh=mesh,
        scratch_types=[
            pltpu.VMEM((4, C), jnp.int32),
            pltpu.VMEM((2, C, D), jnp.float32),
            pltpu.SemaphoreType.DMA,
            pltpu.SemaphoreType.DMA,
            pltpu.SemaphoreType.DMA,
            pltpu.SemaphoreType.DMA,
            pltpu.SemaphoreType.DMA,
            pltpu.SemaphoreType.DMA,
            pltpu.SemaphoreType.DMA,
            pltpu.SemaphoreType.DMA,
        ],
        compiler_params=pltpu.CompilerParams(use_tc_tiling_on_sc=False),
    )
    def emb(x_hbm, table_hbm, out_hbm, idx_v, rows_v,
            is0, is1, is2, is3, gs0, gs1, os0, os1):
        isems = (is0, is1, is2, is3)
        gsems = (gs0, gs1)
        osems = (os0, os1)
        wid = lax.axis_index("s") * _NC + lax.axis_index("c")
        base = wid * b_per_w

        def ds(g):
            return pl.ds(base + g * C, C)

        def stage_idx(g, slot):
            pltpu.async_copy(x_hbm.at[ds(g)], idx_v.at[slot], isems[slot])

        def wait_idx(slot):
            pltpu.make_async_copy(x_hbm.at[pl.ds(base, C)],
                                  idx_v.at[slot], isems[slot]).wait()

        def fire_gather(b, slot):
            pltpu.async_copy(table_hbm.at[idx_v.at[slot]], rows_v.at[b],
                             gsems[b])

        def wait_gather(b):
            pltpu.make_async_copy(out_hbm.at[pl.ds(base, C)],
                                  rows_v.at[b], gsems[b]).wait()

        def fire_out(g, b):
            pltpu.async_copy(rows_v.at[b], out_hbm.at[ds(g)], osems[b])

        def wait_out(b):
            pltpu.make_async_copy(rows_v.at[b],
                                  out_hbm.at[pl.ds(base, C)], osems[b]).wait()

        def step(g, j, *, w_out, w_prev, do_stage):
            b = j % 2
            wait_idx(j)
            if w_out:
                wait_out(b)
            fire_gather(b, j)
            if w_prev:
                wait_gather(1 - b)
                fire_out(g - 1, 1 - b)
            if do_stage:
                stage_idx(g + 2, (j + 2) % 4)

        stage_idx(0, 0)
        stage_idx(1, 1)
        step(0, 0, w_out=False, w_prev=False, do_stage=True)
        step(1, 1, w_out=False, w_prev=True, do_stage=True)
        step(2, 2, w_out=True, w_prev=True, do_stage=True)
        step(3, 3, w_out=True, w_prev=True, do_stage=True)

        @pl.loop(1, n_chunks // 4 - 1)
        def _(o):
            g0 = o * 4
            for j in range(4):
                step(g0 + j, j, w_out=True, w_prev=True, do_stage=True)

        gl = n_chunks - 4
        step(gl + 0, 0, w_out=True, w_prev=True, do_stage=True)
        step(gl + 1, 1, w_out=True, w_prev=True, do_stage=True)
        step(gl + 2, 2, w_out=True, w_prev=True, do_stage=False)
        step(gl + 3, 3, w_out=True, w_prev=True, do_stage=False)
        wait_gather(1)
        fire_out(n_chunks - 1, 1)
        wait_out(0)
        wait_out(1)

    return emb


def kernel(x, table):
    B, H = x.shape
    V, D = table.shape
    total = B * H
    out = _emb_call(total, D)(x.reshape(total), table)
    return out.reshape(B, H, D)

# --- scband reference (transcript-rebuilt; emitter-appended) ---
"""Pipeline reference for scband-word-embedding-22436909154939 (READ-ONLY COPY).

The authoritative reference and input builder live on the scoring server;
editing this copy changes nothing except your own understanding.
"""

import jax, jax.numpy as jnp
import numpy as np

VOCAB = 1000000
EMBED = 32
PAD_IDX = 0
BATCH = 16384
HIST = 200

def setup_inputs(seed: int = 0) -> dict:
    key = jax.random.key(seed)
    k1, k2 = jax.random.split(key)
    x = jax.random.randint(k1, (BATCH, HIST), 0, VOCAB, dtype=jnp.int64 if jax.config.jax_enable_x64 else jnp.int32).astype(jnp.int32)
    table = jax.random.normal(k2, (VOCAB, EMBED), dtype=jnp.float32)
    # nn.Embedding with padding_idx initializes that row to zeros
    table = table.at[PAD_IDX].set(0.0)
    return {"x": x, "table": table}

def reference(x, table):
    # Faithful to nn.Embedding(vocab, embed, padding_idx=PAD_IDX):
    # the padding row is held at zero; lookups are a plain gather.
    row_mask = (jnp.arange(table.shape[0]) != PAD_IDX).astype(table.dtype)[:, None]
    table_eff = table * row_mask
    out = jnp.take(table_eff, x, axis=0)
    return out

if __name__ == "__main__":
    import jax
    _d = setup_inputs()
    print(jax.jit(kernel)(*tuple(_d.values())))

</pallas_src>

<mosaic_0001>
#map = affine_map<(d0, d1) -> (0)>
#map1 = affine_map<(d0, d1) -> (0, 0)>
module attributes {stable_mosaic.version = 14 : i64} {
  func.func @emb(%arg0: i32, %arg1: i32, %arg2: memref<3276800xi32, #tpu.memory_space<hbm>>, %arg3: memref<1000000x32xf32, #tpu.memory_space<hbm>>, %arg4: memref<3276800x32xf32, #tpu.memory_space<hbm>>, %arg5: memref<4x1600xi32, #tpu.memory_space<vmem>>, %arg6: memref<2x1600x32xf32, #tpu.memory_space<vmem>>, %arg7: memref<!tpu.dma_semaphore, #tpu.memory_space<semaphore_mem>>, %arg8: memref<!tpu.dma_semaphore, #tpu.memory_space<semaphore_mem>>, %arg9: memref<!tpu.dma_semaphore, #tpu.memory_space<semaphore_mem>>, %arg10: memref<!tpu.dma_semaphore, #tpu.memory_space<semaphore_mem>>, %arg11: memref<!tpu.dma_semaphore, #tpu.memory_space<semaphore_mem>>, %arg12: memref<!tpu.dma_semaphore, #tpu.memory_space<semaphore_mem>>, %arg13: memref<!tpu.dma_semaphore, #tpu.memory_space<semaphore_mem>>, %arg14: memref<!tpu.dma_semaphore, #tpu.memory_space<semaphore_mem>>) attributes {dimension_semantics = [#tpu.dimension_semantics<core_parallel>, #tpu.dimension_semantics<subcore_parallel>], iteration_bounds = array<i64: 2, 16>, scalar_prefetch = 0 : i64, scratch_operands = 10 : i64, tpu.core_type = #tpu.core_type<sc_vector_subcore>, window_params = [{transform_indices = #map}, {transform_indices = #map1}, {transform_indices = #map1}]} {
    %mul3A = arith.constant 2 : i32
    %mul3A_0 = arith.muli %arg1, %mul3A : i32
    %add3A = arith.addi %mul3A_0, %arg0 : i32
    %mul3A_1 = arith.constant 102400 : i32
    %mul3A_2 = arith.muli %add3A, %mul3A_1 : i32
    %add3A_3 = arith.constant 0 : i32
    %add3A_4 = arith.addi %mul3A_2, %add3A_3 : i32
    %dma_start3A = arith.constant 0 : i32
    %dma_start3A_5 = arith.constant 0 : i32
    %dma_start3A_6 = tpu.memref_slice %arg5[%dma_start3A, %dma_start3A_5] : memref<4x1600xi32, #tpu.memory_space<vmem>> -> memref<1x1600xi32, #tpu.memory_space<vmem>>
    %dma_start3A_7 = tpu.memref_squeeze %dma_start3A_6 : memref<1x1600xi32, #tpu.memory_space<vmem>> -> memref<1600xi32, #tpu.memory_space<vmem>>
    %dma_start3A_8 = tpu.memref_slice %arg2[%add3A_4] : memref<3276800xi32, #tpu.memory_space<hbm>> -> memref<1600xi32, #tpu.memory_space<hbm>>
    %dma_start3A_9 = arith.constant 0 : i32
    %dma_start3A_10 = tpu.memref_slice %arg5[%dma_start3A, %dma_start3A_9] : memref<4x1600xi32, #tpu.memory_space<vmem>> -> memref<1x1600xi32, #tpu.memory_space<vmem>>
    %dma_start3A_11 = tpu.memref_squeeze %dma_start3A_10 : memref<1x1600xi32, #tpu.memory_space<vmem>> -> memref<1600xi32, #tpu.memory_space<vmem>>
    %dma_start3A_12 = tpu.memref_slice %arg2[%add3A_4] : memref<3276800xi32, #tpu.memory_space<hbm>> -> memref<1600xi32, #tpu.memory_space<hbm>>
    tpu.enqueue_dma source(%dma_start3A_12 : memref<1600xi32, #tpu.memory_space<hbm>>) target(%dma_start3A_11 : memref<1600xi32, #tpu.memory_space<vmem>>) target_semaphore(%arg7 : memref<!tpu.dma_semaphore, #tpu.memory_space<semaphore_mem>>)
    %add3A_13 = arith.constant 1600 : i32
    %add3A_14 = arith.addi %mul3A_2, %add3A_13 : i32
    %dma_start3A_15 = arith.constant 1 : i32
    %dma_start3A_16 = arith.constant 0 : i32
    %dma_start3A_17 = tpu.memref_slice %arg5[%dma_start3A_15, %dma_start3A_16] : memref<4x1600xi32, #tpu.memory_space<vmem>> -> memref<1x1600xi32, #tpu.memory_space<vmem>>
    %dma_start3A_18 = tpu.memref_squeeze %dma_start3A_17 : memref<1x1600xi32, #tpu.memory_space<vmem>> -> memref<1600xi32, #tpu.memory_space<vmem>>
    %dma_start3A_19 = tpu.memref_slice %arg2[%add3A_14] : memref<3276800xi32, #tpu.memory_space<hbm>> -> memref<1600xi32, #tpu.memory_space<hbm>>
    %dma_start3A_20 = arith.constant 0 : i32
    %dma_start3A_21 = tpu.memref_slice %arg5[%dma_start3A_15, %dma_start3A_20] : memref<4x1600xi32, #tpu.memory_space<vmem>> -> memref<1x1600xi32, #tpu.memory_space<vmem>>
    %dma_start3A_22 = tpu.memref_squeeze %dma_start3A_21 : memref<1x1600xi32, #tpu.memory_space<vmem>> -> memref<1600xi32, #tpu.memory_space<vmem>>
    %dma_start3A_23 = tpu.memref_slice %arg2[%add3A_14] : memref<3276800xi32, #tpu.memory_space<hbm>> -> memref<1600xi32, #tpu.memory_space<hbm>>
    tpu.enqueue_dma source(%dma_start3A_23 : memref<1600xi32, #tpu.memory_space<hbm>>) target(%dma_start3A_22 : memref<1600xi32, #tpu.memory_space<vmem>>) target_semaphore(%arg8 : memref<!tpu.dma_semaphore, #tpu.memory_space<semaphore_mem>>)
    %dma_wait3A = arith.constant 0 : i32
    %dma_wait3A_24 = arith.constant 0 : i32
    %dma_wait3A_25 = tpu.memref_slice %arg5[%dma_wait3A, %dma_wait3A_24] : memref<4x1600xi32, #tpu.memory_space<vmem>> -> memref<1x1600xi32, #tpu.memory_space<vmem>>
    %dma_wait3A_26 = tpu.memref_squeeze %dma_wait3A_25 : memref<1x1600xi32, #tpu.memory_space<vmem>> -> memref<1600xi32, #tpu.memory_space<vmem>>
    %dma_wait3A_27 = tpu.memref_slice %arg2[%mul3A_2] : memref<3276800xi32, #tpu.memory_space<hbm>> -> memref<1600xi32, #tpu.memory_space<hbm>>
    %dma_wait3A_28 = arith.constant 0 : i32
    %dma_wait3A_29 = tpu.memref_slice %arg5[%dma_wait3A, %dma_wait3A_28] : memref<4x1600xi32, #tpu.memory_space<vmem>> -> memref<1x1600xi32, #tpu.memory_space<vmem>>
    %dma_wait3A_30 = tpu.memref_squeeze %dma_wait3A_29 : memref<1x1600xi32, #tpu.memory_space<vmem>> -> memref<1600xi32, #tpu.memory_space<vmem>>
    %dma_wait3A_31 = tpu.memref_slice %arg2[%mul3A_2] : memref<3276800xi32, #tpu.memory_space<hbm>> -> memref<1600xi32, #tpu.memory_space<hbm>>
    tpu.wait_dma2 semaphore(%arg7 : memref<!tpu.dma_semaphore, #tpu.memory_space<semaphore_mem>>) src(%dma_wait3A_31 : memref<1600xi32, #tpu.memory_space<hbm>>) dst(%dma_wait3A_30 : memref<1600xi32, #tpu.memory_space<vmem>>)
    %dma_start3A_32 = arith.constant 0 : i32
    %dma_start3A_33 = arith.constant 0 : i32
    %dma_start3A_34 = arith.constant 0 : i32
    %dma_start3A_35 = arith.constant 0 : i32
    %dma_start3A_36 = tpu.memref_slice %arg6[%dma_start3A_33, %dma_start3A_34, %dma_start3A_35] : memref<2x1600x32xf32, #tpu.memory_space<vmem>> -> memref<1x1600x32xf32, #tpu.memory_space<vmem>>
    %dma_start3A_37 = tpu.memref_squeeze %dma_start3A_36 : memref<1x1600x32xf32, #tpu.memory_space<vmem>> -> memref<1600x32xf32, #tpu.memory_space<vmem>>
    %dma_start3A_38 = arith.constant 0 : i32
    %dma_start3A_39 = tpu.memref_slice %arg5[%dma_start3A_32, %dma_start3A_38] : memref<4x1600xi32, #tpu.memory_space<vmem>> -> memref<1x1600xi32, #tpu.memory_space<vmem>>
    %dma_start3A_40 = tpu.memref_squeeze %dma_start3A_39 : memref<1x1600xi32, #tpu.memory_space<vmem>> -> memref<1600xi32, #tpu.memory_space<vmem>>
    %dma_start3A_41 = arith.constant 0 : i32
    %dma_start3A_42 = arith.constant 0 : i32
    %dma_start3A_43 = tpu.memref_slice %arg3[%dma_start3A_41, %dma_start3A_42] : memref<1000000x32xf32, #tpu.memory_space<hbm>> -> memref<1000000x32xf32, #tpu.memory_space<hbm>>
    tpu.enqueue_indirect_dma source(%dma_start3A_43 : memref<1000000x32xf32, #tpu.memory_space<hbm>>) target(%dma_start3A_37 : memref<1600x32xf32, #tpu.memory_space<vmem>>) offsets(%dma_start3A_40 : memref<1600xi32, #tpu.memory_space<vmem>>) semaphore(%arg11 : memref<!tpu.dma_semaphore, #tpu.memory_space<semaphore_mem>>)
    %add3A_44 = arith.constant 3200 : i32
    %add3A_45 = arith.addi %mul3A_2, %add3A_44 : i32
    %dma_start3A_46 = arith.constant 2 : i32
    %dma_start3A_47 = arith.constant 0 : i32
    %dma_start3A_48 = tpu.memref_slice %arg5[%dma_start3A_46, %dma_start3A_47] : memref<4x1600xi32, #tpu.memory_space<vmem>> -> memref<1x1600xi32, #tpu.memory_space<vmem>>
    %dma_start3A_49 = tpu.memref_squeeze %dma_start3A_48 : memref<1x1600xi32, #tpu.memory_space<vmem>> -> memref<1600xi32, #tpu.memory_space<vmem>>
    %dma_start3A_50 = tpu.memref_slice %arg2[%add3A_45] : memref<3276800xi32, #tpu.memory_space<hbm>> -> memref<1600xi32, #tpu.memory_space<hbm>>
    %dma_start3A_51 = arith.constant 0 : i32
    %dma_start3A_52 = tpu.memref_slice %arg5[%dma_start3A_46, %dma_start3A_51] : memref<4x1600xi32, #tpu.memory_space<vmem>> -> memref<1x1600xi32, #tpu.memory_space<vmem>>
    %dma_start3A_53 = tpu.memref_squeeze %dma_start3A_52 : memref<1x1600xi32, #tpu.memory_space<vmem>> -> memref<1600xi32, #tpu.memory_space<vmem>>
    %dma_start3A_54 = tpu.memref_slice %arg2[%add3A_45] : memref<3276800xi32, #tpu.memory_space<hbm>> -> memref<1600xi32, #tpu.memory_space<hbm>>
    tpu.enqueue_dma source(%dma_start3A_54 : memref<1600xi32, #tpu.memory_space<hbm>>) target(%dma_start3A_53 : memref<1600xi32, #tpu.memory_space<vmem>>) target_semaphore(%arg9 : memref<!tpu.dma_semaphore, #tpu.memory_space<semaphore_mem>>)
    %dma_wait3A_55 = arith.constant 1 : i32
    %dma_wait3A_56 = arith.constant 0 : i32
    %dma_wait3A_57 = tpu.memref_slice %arg5[%dma_wait3A_55, %dma_wait3A_56] : memref<4x1600xi32, #tpu.memory_space<vmem>> -> memref<1x1600xi32, #tpu.memory_space<vmem>>
    %dma_wait3A_58 = tpu.memref_squeeze %dma_wait3A_57 : memref<1x1600xi32, #tpu.memory_space<vmem>> -> memref<1600xi32, #tpu.memory_space<vmem>>
    %dma_wait3A_59 = tpu.memref_slice %arg2[%mul3A_2] : memref<3276800xi32, #tpu.memory_space<hbm>> -> memref<1600xi32, #tpu.memory_space<hbm>>
    %dma_wait3A_60 = arith.constant 0 : i32
    %dma_wait3A_61 = tpu.memref_slice %arg5[%dma_wait3A_55, %dma_wait3A_60] : memref<4x1600xi32, #tpu.memory_space<vmem>> -> memref<1x1600xi32, #tpu.memory_space<vmem>>
    %dma_wait3A_62 = tpu.memref_squeeze %dma_wait3A_61 : memref<1x1600xi32, #tpu.memory_space<vmem>> -> memref<1600xi32, #tpu.memory_space<vmem>>
    %dma_wait3A_63 = tpu.memref_slice %arg2[%mul3A_2] : memref<3276800xi32, #tpu.memory_space<hbm>> -> memref<1600xi32, #tpu.memory_space<hbm>>
    tpu.wait_dma2 semaphore(%arg8 : memref<!tpu.dma_semaphore, #tpu.memory_space<semaphore_mem>>) src(%dma_wait3A_63 : memref<1600xi32, #tpu.memory_space<hbm>>) dst(%dma_wait3A_62 : memref<1600xi32, #tpu.memory_space<vmem>>)
    %dma_start3A_64 = arith.constant 1 : i32
    %dma_start3A_65 = arith.constant 1 : i32
    %dma_start3A_66 = arith.constant 0 : i32
    %dma_start3A_67 = arith.constant 0 : i32
    %dma_start3A_68 = tpu.memref_slice %arg6[%dma_start3A_65, %dma_start3A_66, %dma_start3A_67] : memref<2x1600x32xf32, #tpu.memory_space<vmem>> -> memref<1x1600x32xf32, #tpu.memory_space<vmem>>
    %dma_start3A_69 = tpu.memref_squeeze %dma_start3A_68 : memref<1x1600x32xf32, #tpu.memory_space<vmem>> -> memref<1600x32xf32, #tpu.memory_space<vmem>>
    %dma_start3A_70 = arith.constant 0 : i32
    %dma_start3A_71 = tpu.memref_slice %arg5[%dma_start3A_64, %dma_start3A_70] : memref<4x1600xi32, #tpu.memory_space<vmem>> -> memref<1x1600xi32, #tpu.memory_space<vmem>>
    %dma_start3A_72 = tpu.memref_squeeze %dma_start3A_71 : memref<1x1600xi32, #tpu.memory_space<vmem>> -> memref<1600xi32, #tpu.memory_space<vmem>>
    %dma_start3A_73 = arith.constant 0 : i32
    %dma_start3A_74 = arith.constant 0 : i32
    %dma_start3A_75 = tpu.memref_slice %arg3[%dma_start3A_73, %dma_start3A_74] : memref<1000000x32xf32, #tpu.memory_space<hbm>> -> memref<1000000x32xf32, #tpu.memory_space<hbm>>
    tpu.enqueue_indirect_dma source(%dma_start3A_75 : memref<1000000x32xf32, #tpu.memory_space<hbm>>) target(%dma_start3A_69 : memref<1600x32xf32, #tpu.memory_space<vmem>>) offsets(%dma_start3A_72 : memref<1600xi32, #tpu.memory_space<vmem>>) semaphore(%arg12 : memref<!tpu.dma_semaphore, #tpu.memory_space<semaphore_mem>>)
    %dma_wait3A_76 = arith.constant 0 : i32
    %dma_wait3A_77 = arith.constant 0 : i32
    %dma_wait3A_78 = arith.constant 0 : i32
    %dma_wait3A_79 = tpu.memref_slice %arg6[%dma_wait3A_76, %dma_wait3A_77, %dma_wait3A_78] : memref<2x1600x32xf32, #tpu.memory_space<vmem>> -> memref<1x1600x32xf32, #tpu.memory_space<vmem>>
    %dma_wait3A_80 = tpu.memref_squeeze %dma_wait3A_79 : memref<1x1600x32xf32, #tpu.memory_space<vmem>> -> memref<1600x32xf32, #tpu.memory_space<vmem>>
    %dma_wait3A_81 = arith.constant 0 : i32
    %dma_wait3A_82 = tpu.memref_slice %arg4[%mul3A_2, %dma_wait3A_81] : memref<3276800x32xf32, #tpu.memory_space<hbm>> -> memref<1600x32xf32, #tpu.memory_space<hbm>>
    %dma_wait3A_83 = arith.constant 0 : i32
    %dma_wait3A_84 = arith.constant 0 : i32
    %dma_wait3A_85 = tpu.memref_slice %arg6[%dma_wait3A_76, %dma_wait3A_83, %dma_wait3A_84] : memref<2x1600x32xf32, #tpu.memory_space<vmem>> -> memref<1x1600x32xf32, #tpu.memory_space<vmem>>
    %dma_wait3A_86 = tpu.memref_squeeze %dma_wait3A_85 : memref<1x1600x32xf32, #tpu.memory_space<vmem>> -> memref<1600x32xf32, #tpu.memory_space<vmem>>
    %dma_wait3A_87 = arith.constant 0 : i32
    %dma_wait3A_88 = tpu.memref_slice %arg4[%mul3A_2, %dma_wait3A_87] : memref<3276800x32xf32, #tpu.memory_space<hbm>> -> memref<1600x32xf32, #tpu.memory_space<hbm>>
    tpu.wait_dma2 semaphore(%arg11 : memref<!tpu.dma_semaphore, #tpu.memory_space<semaphore_mem>>) src(%dma_wait3A_88 : memref<1600x32xf32, #tpu.memory_space<hbm>>) dst(%dma_wait3A_86 : memref<1600x32xf32, #tpu.memory_space<vmem>>)
    %add3A_89 = arith.constant 0 : i32
    %add3A_90 = arith.addi %mul3A_2, %add3A_89 : i32
    %dma_start3A_91 = arith.constant 0 : i32
    %dma_start3A_92 = arith.constant 0 : i32
    %dma_start3A_93 = arith.constant 0 : i32
    %dma_start3A_94 = tpu.memref_slice %arg6[%dma_start3A_91, %dma_start3A_92, %dma_start3A_93] : memref<2x1600x32xf32, #tpu.memory_space<vmem>> -> memref<1x1600x32xf32, #tpu.memory_space<vmem>>
    %dma_start3A_95 = tpu.memref_squeeze %dma_start3A_94 : memref<1x1600x32xf32, #tpu.memory_space<vmem>> -> memref<1600x32xf32, #tpu.memory_space<vmem>>
    %dma_start3A_96 = arith.constant 0 : i32
    %dma_start3A_97 = tpu.memref_slice %arg4[%add3A_90, %dma_start3A_96] : memref<3276800x32xf32, #tpu.memory_space<hbm>> -> memref<1600x32xf32, #tpu.memory_space<hbm>>
    %dma_start3A_98 = arith.constant 0 : i32
    %dma_start3A_99 = tpu.memref_slice %arg4[%add3A_90, %dma_start3A_98] : memref<3276800x32xf32, #tpu.memory_space<hbm>> -> memref<1600x32xf32, #tpu.memory_space<hbm>>
    %dma_start3A_100 = arith.constant 0 : i32
    %dma_start3A_101 = arith.constant 0 : i32
    %dma_start3A_102 = tpu.memref_slice %arg6[%dma_start3A_91, %dma_start3A_100, %dma_start3A_101] : memref<2x1600x32xf32, #tpu.memory_space<vmem>> -> memref<1x1600x32xf32, #tpu.memory_space<vmem>>
    %dma_start3A_103 = tpu.memref_squeeze %dma_start3A_102 : memref<1x1600x32xf32, #tpu.memory_space<vmem>> -> memref<1600x32xf32, #tpu.memory_space<vmem>>
    tpu.enqueue_dma source(%dma_start3A_103 : memref<1600x32xf32, #tpu.memory_space<vmem>>) target(%dma_start3A_99 : memref<1600x32xf32, #tpu.memory_space<hbm>>) target_semaphore(%arg13 : memref<!tpu.dma_semaphore, #tpu.memory_space<semaphore_mem>>)
    %add3A_104 = arith.constant 4800 : i32
    %add3A_105 = arith.addi %mul3A_2, %add3A_104 : i32
    %dma_start3A_106 = arith.constant 3 : i32
    %dma_start3A_107 = arith.constant 0 : i32
    %dma_start3A_108 = tpu.memref_slice %arg5[%dma_start3A_106, %dma_start3A_107] : memref<4x1600xi32, #tpu.memory_space<vmem>> -> memref<1x1600xi32, #tpu.memory_space<vmem>>
    %dma_start3A_109 = tpu.memref_squeeze %dma_start3A_108 : memref<1x1600xi32, #tpu.memory_space<vmem>> -> memref<1600xi32, #tpu.memory_space<vmem>>
    %dma_start3A_110 = tpu.memref_slice %arg2[%add3A_105] : memref<3276800xi32, #tpu.memory_space<hbm>> -> memref<1600xi32, #tpu.memory_space<hbm>>
    %dma_start3A_111 = arith.constant 0 : i32
    %dma_start3A_112 = tpu.memref_slice %arg5[%dma_start3A_106, %dma_start3A_111] : memref<4x1600xi32, #tpu.memory_space<vmem>> -> memref<1x1600xi32, #tpu.memory_space<vmem>>
    %dma_start3A_113 = tpu.memref_squeeze %dma_start3A_112 : memref<1x1600xi32, #tpu.memory_space<vmem>> -> memref<1600xi32, #tpu.memory_space<vmem>>
    %dma_start3A_114 = tpu.memref_slice %arg2[%add3A_105] : memref<3276800xi32, #tpu.memory_space<hbm>> -> memref<1600xi32, #tpu.memory_space<hbm>>
    tpu.enqueue_dma source(%dma_start3A_114 : memref<1600xi32, #tpu.memory_space<hbm>>) target(%dma_start3A_113 : memref<1600xi32, #tpu.memory_space<vmem>>) target_semaphore(%arg10 : memref<!tpu.dma_semaphore, #tpu.memory_space<semaphore_mem>>)
    %dma_wait3A_115 = arith.constant 2 : i32
    %dma_wait3A_116 = arith.constant 0 : i32
    %dma_wait3A_117 = tpu.memref_slice %arg5[%dma_wait3A_115, %dma_wait3A_116] : memref<4x1600xi32, #tpu.memory_space<vmem>> -> memref<1x1600xi32, #tpu.memory_space<vmem>>
    %dma_wait3A_118 = tpu.memref_squeeze %dma_wait3A_117 : memref<1x1600xi32, #tpu.memory_space<vmem>> -> memref<1600xi32, #tpu.memory_space<vmem>>
    %dma_wait3A_119 = tpu.memref_slice %arg2[%mul3A_2] : memref<3276800xi32, #tpu.memory_space<hbm>> -> memref<1600xi32, #tpu.memory_space<hbm>>
    %dma_wait3A_120 = arith.constant 0 : i32
    %dma_wait3A_121 = tpu.memref_slice %arg5[%dma_wait3A_115, %dma_wait3A_120] : memref<4x1600xi32, #tpu.memory_space<vmem>> -> memref<1x1600xi32, #tpu.memory_space<vmem>>
    %dma_wait3A_122 = tpu.memref_squeeze %dma_wait3A_121 : memref<1x1600xi32, #tpu.memory_space<vmem>> -> memref<1600xi32, #tpu.memory_space<vmem>>
    %dma_wait3A_123 = tpu.memref_slice %arg2[%mul3A_2] : memref<3276800xi32, #tpu.memory_space<hbm>> -> memref<1600xi32, #tpu.memory_space<hbm>>
    tpu.wait_dma2 semaphore(%arg9 : memref<!tpu.dma_semaphore, #tpu.memory_space<semaphore_mem>>) src(%dma_wait3A_123 : memref<1600xi32, #tpu.memory_space<hbm>>) dst(%dma_wait3A_122 : memref<1600xi32, #tpu.memory_space<vmem>>)
    %dma_wait3A_124 = arith.constant 0 : i32
    %dma_wait3A_125 = arith.constant 0 : i32
    %dma_wait3A_126 = arith.constant 0 : i32
    %dma_wait3A_127 = tpu.memref_slice %arg6[%dma_wait3A_124, %dma_wait3A_125, %dma_wait3A_126] : memref<2x1600x32xf32, #tpu.memory_space<vmem>> -> memref<1x1600x32xf32, #tpu.memory_space<vmem>>
    %dma_wait3A_128 = tpu.memref_squeeze %dma_wait3A_127 : memref<1x1600x32xf32, #tpu.memory_space<vmem>> -> memref<1600x32xf32, #tpu.memory_space<vmem>>
    %dma_wait3A_129 = arith.constant 0 : i32
    %dma_wait3A_130 = tpu.memref_slice %arg4[%mul3A_2, %dma_wait3A_129] : memref<3276800x32xf32, #tpu.memory_space<hbm>> -> memref<1600x32xf32, #tpu.memory_space<hbm>>
    %dma_wait3A_131 = arith.constant 0 : i32
    %dma_wait3A_132 = tpu.memref_slice %arg4[%mul3A_2, %dma_wait3A_131] : memref<3276800x32xf32, #tpu.memory_space<hbm>> -> memref<1600x32xf32, #tpu.memory_space<hbm>>
    %dma_wait3A_133 = arith.constant 0 : i32
    %dma_wait3A_134 = arith.constant 0 : i32
    %dma_wait3A_135 = tpu.memref_slice %arg6[%dma_wait3A_124, %dma_wait3A_133, %dma_wait3A_134] : memref<2x1600x32xf32, #tpu.memory_space<vmem>> -> memref<1x1600x32xf32, #tpu.memory_space<vmem>>
    %dma_wait3A_136 = tpu.memref_squeeze %dma_wait3A_135 : memref<1x1600x32xf32, #tpu.memory_space<vmem>> -> memref<1600x32xf32, #tpu.memory_space<vmem>>
    tpu.wait_dma2 semaphore(%arg13 : memref<!tpu.dma_semaphore, #tpu.memory_space<semaphore_mem>>) src(%dma_wait3A_136 : memref<1600x32xf32, #tpu.memory_space<vmem>>) dst(%dma_wait3A_132 : memref<1600x32xf32, #tpu.memory_space<hbm>>)
    %dma_start3A_137 = arith.constant 2 : i32
    %dma_start3A_138 = arith.constant 0 : i32
    %dma_start3A_139 = arith.constant 0 : i32
    %dma_start3A_140 = arith.constant 0 : i32
    %dma_start3A_141 = tpu.memref_slice %arg6[%dma_start3A_138, %dma_start3A_139, %dma_start3A_140] : memref<2x1600x32xf32, #tpu.memory_space<vmem>> -> memref<1x1600x32xf32, #tpu.memory_space<vmem>>
    %dma_start3A_142 = tpu.memref_squeeze %dma_start3A_141 : memref<1x1600x32xf32, #tpu.memory_space<vmem>> -> memref<1600x32xf32, #tpu.memory_space<vmem>>
    %dma_start3A_143 = arith.constant 0 : i32
    %dma_start3A_144 = tpu.memref_slice %arg5[%dma_start3A_137, %dma_start3A_143] : memref<4x1600xi32, #tpu.memory_space<vmem>> -> memref<1x1600xi32, #tpu.memory_space<vmem>>
    %dma_start3A_145 = tpu.memref_squeeze %dma_start3A_144 : memref<1x1600xi32, #tpu.memory_space<vmem>> -> memref<1600xi32, #tpu.memory_space<vmem>>
    %dma_start3A_146 = arith.constant 0 : i32
    %dma_start3A_147 = arith.constant 0 : i32
    %dma_start3A_148 = tpu.memref_slice %arg3[%dma_start3A_146, %dma_start3A_147] : memref<1000000x32xf32, #tpu.memory_space<hbm>> -> memref<1000000x32xf32, #tpu.memory_space<hbm>>
    tpu.enqueue_indirect_dma source(%dma_start3A_148 : memref<1000000x32xf32, #tpu.memory_space<hbm>>) target(%dma_start3A_142 : memref<1600x32xf32, #tpu.memory_space<vmem>>) offsets(%dma_start3A_145 : memref<1600xi32, #tpu.memory_space<vmem>>) semaphore(%arg11 : memref<!tpu.dma_semaphore, #tpu.memory_space<semaphore_mem>>)
    %dma_wait3A_149 = arith.constant 1 : i32
    %dma_wait3A_150 = arith.constant 0 : i32
    %dma_wait3A_151 = arith.constant 0 : i32
    %dma_wait3A_152 = tpu.memref_slice %arg6[%dma_wait3A_149, %dma_wait3A_150, %dma_wait3A_151] : memref<2x1600x32xf32, #tpu.memory_space<vmem>> -> memref<1x1600x32xf32, #tpu.memory_space<vmem>>
    %dma_wait3A_153 = tpu.memref_squeeze %dma_wait3A_152 : memref<1x1600x32xf32, #tpu.memory_space<vmem>> -> memref<1600x32xf32, #tpu.memory_space<vmem>>
    %dma_wait3A_154 = arith.constant 0 : i32
    %dma_wait3A_155 = tpu.memref_slice %arg4[%mul3A_2, %dma_wait3A_154] : memref<3276800x32xf32, #tpu.memory_space<hbm>> -> memref<1600x32xf32, #tpu.memory_space<hbm>>
    %dma_wait3A_156 = arith.constant 0 : i32
    %dma_wait3A_157 = arith.constant 0 : i32
    %dma_wait3A_158 = tpu.memref_slice %arg6[%dma_wait3A_149, %dma_wait3A_156, %dma_wait3A_157] : memref<2x1600x32xf32, #tpu.memory_space<vmem>> -> memref<1x1600x32xf32, #tpu.memory_space<vmem>>
    %dma_wait3A_159 = tpu.memref_squeeze %dma_wait3A_158 : memref<1x1600x32xf32, #tpu.memory_space<vmem>> -> memref<1600x32xf32, #tpu.memory_space<vmem>>
    %dma_wait3A_160 = arith.constant 0 : i32
    %dma_wait3A_161 = tpu.memref_slice %arg4[%mul3A_2, %dma_wait3A_160] : memref<3276800x32xf32, #tpu.memory_space<hbm>> -> memref<1600x32xf32, #tpu.memory_space<hbm>>
    tpu.wait_dma2 semaphore(%arg12 : memref<!tpu.dma_semaphore, #tpu.memory_space<semaphore_mem>>) src(%dma_wait3A_161 : memref<1600x32xf32, #tpu.memory_space<hbm>>) dst(%dma_wait3A_159 : memref<1600x32xf32, #tpu.memory_space<vmem>>)
    %add3A_162 = arith.constant 1600 : i32
    %add3A_163 = arith.addi %mul3A_2, %add3A_162 : i32
    %dma_start3A_164 = arith.constant 1 : i32
    %dma_start3A_165 = arith.constant 0 : i32
    %dma_start3A_166 = arith.constant 0 : i32
    %dma_start3A_167 = tpu.memref_slice %arg6[%dma_start3A_164, %dma_start3A_165, %dma_start3A_166] : memref<2x1600x32xf32, #tpu.memory_space<vmem>> -> memref<1x1600x32xf32, #tpu.memory_space<vmem>>
    %dma_start3A_168 = tpu.memref_squeeze %dma_start3A_167 : memref<1x1600x32xf32, #tpu.memory_space<vmem>> -> memref<1600x32xf32, #tpu.memory_space<vmem>>
    %dma_start3A_169 = arith.constant 0 : i32
    %dma_start3A_170 = tpu.memref_slice %arg4[%add3A_163, %dma_start3A_169] : memref<3276800x32xf32, #tpu.memory_space<hbm>> -> memref<1600x32xf32, #tpu.memory_space<hbm>>
    %dma_start3A_171 = arith.constant 0 : i32
    %dma_start3A_172 = tpu.memref_slice %arg4[%add3A_163, %dma_start3A_171] : memref<3276800x32xf32, #tpu.memory_space<hbm>> -> memref<1600x32xf32, #tpu.memory_space<hbm>>
    %dma_start3A_173 = arith.constant 0 : i32
    %dma_start3A_174 = arith.constant 0 : i32
    %dma_start3A_175 = tpu.memref_slice %arg6[%dma_start3A_164, %dma_start3A_173, %dma_start3A_174] : memref<2x1600x32xf32, #tpu.memory_space<vmem>> -> memref<1x1600x32xf32, #tpu.memory_space<vmem>>
    %dma_start3A_176 = tpu.memref_squeeze %dma_start3A_175 : memref<1x1600x32xf32, #tpu.memory_space<vmem>> -> memref<1600x32xf32, #tpu.memory_space<vmem>>
    tpu.enqueue_dma source(%dma_start3A_176 : memref<1600x32xf32, #tpu.memory_space<vmem>>) target(%dma_start3A_172 : memref<1600x32xf32, #tpu.memory_space<hbm>>) target_semaphore(%arg14 : memref<!tpu.dma_semaphore, #tpu.memory_space<semaphore_mem>>)
    %add3A_177 = arith.constant 6400 : i32
    %add3A_178 = arith.addi %mul3A_2, %add3A_177 : i32
    %dma_start3A_179 = arith.constant 0 : i32
    %dma_start3A_180 = arith.constant 0 : i32
    %dma_start3A_181 = tpu.memref_slice %arg5[%dma_start3A_179, %dma_start3A_180] : memref<4x1600xi32, #tpu.memory_space<vmem>> -> memref<1x1600xi32, #tpu.memory_space<vmem>>
    %dma_start3A_182 = tpu.memref_squeeze %dma_start3A_181 : memref<1x1600xi32, #tpu.memory_space<vmem>> -> memref<1600xi32, #tpu.memory_space<vmem>>
    %dma_start3A_183 = tpu.memref_slice %arg2[%add3A_178] : memref<3276800xi32, #tpu.memory_space<hbm>> -> memref<1600xi32, #tpu.memory_space<hbm>>
    %dma_start3A_184 = arith.constant 0 : i32
    %dma_start3A_185 = tpu.memref_slice %arg5[%dma_start3A_179, %dma_start3A_184] : memref<4x1600xi32, #tpu.memory_space<vmem>> -> memref<1x1600xi32, #tpu.memory_space<vmem>>
    %dma_start3A_186 = tpu.memref_squeeze %dma_start3A_185 : memref<1x1600xi32, #tpu.memory_space<vmem>> -> memref<1600xi32, #tpu.memory_space<vmem>>
    %dma_start3A_187 = tpu.memref_slice %arg2[%add3A_178] : memref<3276800xi32, #tpu.memory_space<hbm>> -> memref<1600xi32, #tpu.memory_space<hbm>>
    tpu.enqueue_dma source(%dma_start3A_187 : memref<1600xi32, #tpu.memory_space<hbm>>) target(%dma_start3A_186 : memref<1600xi32, #tpu.memory_space<vmem>>) target_semaphore(%arg7 : memref<!tpu.dma_semaphore, #tpu.memory_space<semaphore_mem>>)
    %dma_wait3A_188 = arith.constant 3 : i32
    %dma_wait3A_189 = arith.constant 0 : i32
    %dma_wait3A_190 = tpu.memref_slice %arg5[%dma_wait3A_188, %dma_wait3A_189] : memref<4x1600xi32, #tpu.memory_space<vmem>> -> memref<1x1600xi32, #tpu.memory_space<vmem>>
    %dma_wait3A_191 = tpu.memref_squeeze %dma_wait3A_190 : memref<1x1600xi32, #tpu.memory_space<vmem>> -> memref<1600xi32, #tpu.memory_space<vmem>>
    %dma_wait3A_192 = tpu.memref_slice %arg2[%mul3A_2] : memref<3276800xi32, #tpu.memory_space<hbm>> -> memref<1600xi32, #tpu.memory_space<hbm>>
    %dma_wait3A_193 = arith.constant 0 : i32
    %dma_wait3A_194 = tpu.memref_slice %arg5[%dma_wait3A_188, %dma_wait3A_193] : memref<4x1600xi32, #tpu.memory_space<vmem>> -> memref<1x1600xi32, #tpu.memory_space<vmem>>
    %dma_wait3A_195 = tpu.memref_squeeze %dma_wait3A_194 : memref<1x1600xi32, #tpu.memory_space<vmem>> -> memref<1600xi32, #tpu.memory_space<vmem>>
    %dma_wait3A_196 = tpu.memref_slice %arg2[%mul3A_2] : memref<3276800xi32, #tpu.memory_space<hbm>> -> memref<1600xi32, #tpu.memory_space<hbm>>
    tpu.wait_dma2 semaphore(%arg10 : memref<!tpu.dma_semaphore, #tpu.memory_space<semaphore_mem>>) src(%dma_wait3A_196 : memref<1600xi32, #tpu.memory_space<hbm>>) dst(%dma_wait3A_195 : memref<1600xi32, #tpu.memory_space<vmem>>)
    %dma_wait3A_197 = arith.constant 1 : i32
    %dma_wait3A_198 = arith.constant 0 : i32
    %dma_wait3A_199 = arith.constant 0 : i32
    %dma_wait3A_200 = tpu.memref_slice %arg6[%dma_wait3A_197, %dma_wait3A_198, %dma_wait3A_199] : memref<2x1600x32xf32, #tpu.memory_space<vmem>> -> memref<1x1600x32xf32, #tpu.memory_space<vmem>>
    %dma_wait3A_201 = tpu.memref_squeeze %dma_wait3A_200 : memref<1x1600x32xf32, #tpu.memory_space<vmem>> -> memref<1600x32xf32, #tpu.memory_space<vmem>>
    %dma_wait3A_202 = arith.constant 0 : i32
    %dma_wait3A_203 = tpu.memref_slice %arg4[%mul3A_2, %dma_wait3A_202] : memref<3276800x32xf32, #tpu.memory_space<hbm>> -> memref<1600x32xf32, #tpu.memory_space<hbm>>
    %dma_wait3A_204 = arith.constant 0 : i32
    %dma_wait3A_205 = tpu.memref_slice %arg4[%mul3A_2, %dma_wait3A_204] : memref<3276800x32xf32, #tpu.memory_space<hbm>> -> memref<1600x32xf32, #tpu.memory_space<hbm>>
    %dma_wait3A_206 = arith.constant 0 : i32
    %dma_wait3A_207 = arith.constant 0 : i32
    %dma_wait3A_208 = tpu.memref_slice %arg6[%dma_wait3A_197, %dma_wait3A_206, %dma_wait3A_207] : memref<2x1600x32xf32, #tpu.memory_space<vmem>> -> memref<1x1600x32xf32, #tpu.memory_space<vmem>>
    %dma_wait3A_209 = tpu.memref_squeeze %dma_wait3A_208 : memref<1x1600x32xf32, #tpu.memory_space<vmem>> -> memref<1600x32xf32, #tpu.memory_space<vmem>>
    tpu.wait_dma2 semaphore(%arg14 : memref<!tpu.dma_semaphore, #tpu.memory_space<semaphore_mem>>) src(%dma_wait3A_209 : memref<1600x32xf32, #tpu.memory_space<vmem>>) dst(%dma_wait3A_205 : memref<1600x32xf32, #tpu.memory_space<hbm>>)
    %dma_start3A_210 = arith.constant 3 : i32
    %dma_start3A_211 = arith.constant 1 : i32
    %dma_start3A_212 = arith.constant 0 : i32
    %dma_start3A_213 = arith.constant 0 : i32
    %dma_start3A_214 = tpu.memref_slice %arg6[%dma_start3A_211, %dma_start3A_212, %dma_start3A_213] : memref<2x1600x32xf32, #tpu.memory_space<vmem>> -> memref<1x1600x32xf32, #tpu.memory_space<vmem>>
    %dma_start3A_215 = tpu.memref_squeeze %dma_start3A_214 : memref<1x1600x32xf32, #tpu.memory_space<vmem>> -> memref<1600x32xf32, #tpu.memory_space<vmem>>
    %dma_start3A_216 = arith.constant 0 : i32
    %dma_start3A_217 = tpu.memref_slice %arg5[%dma_start3A_210, %dma_start3A_216] : memref<4x1600xi32, #tpu.memory_space<vmem>> -> memref<1x1600xi32, #tpu.memory_space<vmem>>
    %dma_start3A_218 = tpu.memref_squeeze %dma_start3A_217 : memref<1x1600xi32, #tpu.memory_space<vmem>> -> memref<1600xi32, #tpu.memory_space<vmem>>
    %dma_start3A_219 = arith.constant 0 : i32
    %dma_start3A_220 = arith.constant 0 : i32
    %dma_start3A_221 = tpu.memref_slice %arg3[%dma_start3A_219, %dma_start3A_220] : memref<1000000x32xf32, #tpu.memory_space<hbm>> -> memref<1000000x32xf32, #tpu.memory_space<hbm>>
    tpu.enqueue_indirect_dma source(%dma_start3A_221 : memref<1000000x32xf32, #tpu.memory_space<hbm>>) target(%dma_start3A_215 : memref<1600x32xf32, #tpu.memory_space<vmem>>) offsets(%dma_start3A_218 : memref<1600xi32, #tpu.memory_space<vmem>>) semaphore(%arg12 : memref<!tpu.dma_semaphore, #tpu.memory_space<semaphore_mem>>)
    %dma_wait3A_222 = arith.constant 0 : i32
    %dma_wait3A_223 = arith.constant 0 : i32
    %dma_wait3A_224 = arith.constant 0 : i32
    %dma_wait3A_225 = tpu.memref_slice %arg6[%dma_wait3A_222, %dma_wait3A_223, %dma_wait3A_224] : memref<2x1600x32xf32, #tpu.memory_space<vmem>> -> memref<1x1600x32xf32, #tpu.memory_space<vmem>>
    %dma_wait3A_226 = tpu.memref_squeeze %dma_wait3A_225 : memref<1x1600x32xf32, #tpu.memory_space<vmem>> -> memref<1600x32xf32, #tpu.memory_space<vmem>>
    %dma_wait3A_227 = arith.constant 0 : i32
    %dma_wait3A_228 = tpu.memref_slice %arg4[%mul3A_2, %dma_wait3A_227] : memref<3276800x32xf32, #tpu.memory_space<hbm>> -> memref<1600x32xf32, #tpu.memory_space<hbm>>
    %dma_wait3A_229 = arith.constant 0 : i32
    %dma_wait3A_230 = arith.constant 0 : i32
    %dma_wait3A_231 = tpu.memref_slice %arg6[%dma_wait3A_222, %dma_wait3A_229, %dma_wait3A_230] : memref<2x1600x32xf32, #tpu.memory_space<vmem>> -> memref<1x1600x32xf32, #tpu.memory_space<vmem>>
    %dma_wait3A_232 = tpu.memref_squeeze %dma_wait3A_231 : memref<1x1600x32xf32, #tpu.memory_space<vmem>> -> memref<1600x32xf32, #tpu.memory_space<vmem>>
    %dma_wait3A_233 = arith.constant 0 : i32
    %dma_wait3A_234 = tpu.memref_slice %arg4[%mul3A_2, %dma_wait3A_233] : memref<3276800x32xf32, #tpu.memory_space<hbm>> -> memref<1600x32xf32, #tpu.memory_space<hbm>>
    tpu.wait_dma2 semaphore(%arg11 : memref<!tpu.dma_semaphore, #tpu.memory_space<semaphore_mem>>) src(%dma_wait3A_234 : memref<1600x32xf32, #tpu.memory_space<hbm>>) dst(%dma_wait3A_232 : memref<1600x32xf32, #tpu.memory_space<vmem>>)
    %add3A_235 = arith.constant 3200 : i32
    %add3A_236 = arith.addi %mul3A_2, %add3A_235 : i32
    %dma_start3A_237 = arith.constant 0 : i32
    %dma_start3A_238 = arith.constant 0 : i32
    %dma_start3A_239 = arith.constant 0 : i32
    %dma_start3A_240 = tpu.memref_slice %arg6[%dma_start3A_237, %dma_start3A_238, %dma_start3A_239] : memref<2x1600x32xf32, #tpu.memory_space<vmem>> -> memref<1x1600x32xf32, #tpu.memory_space<vmem>>
    %dma_start3A_241 = tpu.memref_squeeze %dma_start3A_240 : memref<1x1600x32xf32, #tpu.memory_space<vmem>> -> memref<1600x32xf32, #tpu.memory_space<vmem>>
    %dma_start3A_242 = arith.constant 0 : i32
    %dma_start3A_243 = tpu.memref_slice %arg4[%add3A_236, %dma_start3A_242] : memref<3276800x32xf32, #tpu.memory_space<hbm>> -> memref<1600x32xf32, #tpu.memory_space<hbm>>
    %dma_start3A_244 = arith.constant 0 : i32
    %dma_start3A_245 = tpu.memref_slice %arg4[%add3A_236, %dma_start3A_244] : memref<3276800x32xf32, #tpu.memory_space<hbm>> -> memref<1600x32xf32, #tpu.memory_space<hbm>>
    %dma_start3A_246 = arith.constant 0 : i32
    %dma_start3A_247 = arith.constant 0 : i32
    %dma_start3A_248 = tpu.memref_slice %arg6[%dma_start3A_237, %dma_start3A_246, %dma_start3A_247] : memref<2x1600x32xf32, #tpu.memory_space<vmem>> -> memref<1x1600x32xf32, #tpu.memory_space<vmem>>
    %dma_start3A_249 = tpu.memref_squeeze %dma_start3A_248 : memref<1x1600x32xf32, #tpu.memory_space<vmem>> -> memref<1600x32xf32, #tpu.memory_space<vmem>>
    tpu.enqueue_dma source(%dma_start3A_249 : memref<1600x32xf32, #tpu.memory_space<vmem>>) target(%dma_start3A_245 : memref<1600x32xf32, #tpu.memory_space<hbm>>) target_semaphore(%arg13 : memref<!tpu.dma_semaphore, #tpu.memory_space<semaphore_mem>>)
    %add3A_250 = arith.constant 8000 : i32
    %add3A_251 = arith.addi %mul3A_2, %add3A_250 : i32
    %dma_start3A_252 = arith.constant 1 : i32
    %dma_start3A_253 = arith.constant 0 : i32
    %dma_start3A_254 = tpu.memref_slice %arg5[%dma_start3A_252, %dma_start3A_253] : memref<4x1600xi32, #tpu.memory_space<vmem>> -> memref<1x1600xi32, #tpu.memory_space<vmem>>
    %dma_start3A_255 = tpu.memref_squeeze %dma_start3A_254 : memref<1x1600xi32, #tpu.memory_space<vmem>> -> memref<1600xi32, #tpu.memory_space<vmem>>
    %dma_start3A_256 = tpu.memref_slice %arg2[%add3A_251] : memref<3276800xi32, #tpu.memory_space<hbm>> -> memref<1600xi32, #tpu.memory_space<hbm>>
    %dma_start3A_257 = arith.constant 0 : i32
    %dma_start3A_258 = tpu.memref_slice %arg5[%dma_start3A_252, %dma_start3A_257] : memref<4x1600xi32, #tpu.memory_space<vmem>> -> memref<1x1600xi32, #tpu.memory_space<vmem>>
    %dma_start3A_259 = tpu.memref_squeeze %dma_start3A_258 : memref<1x1600xi32, #tpu.memory_space<vmem>> -> memref<1600xi32, #tpu.memory_space<vmem>>
    %dma_start3A_260 = tpu.memref_slice %arg2[%add3A_251] : memref<3276800xi32, #tpu.memory_space<hbm>> -> memref<1600xi32, #tpu.memory_space<hbm>>
    tpu.enqueue_dma source(%dma_start3A_260 : memref<1600xi32, #tpu.memory_space<hbm>>) target(%dma_start3A_259 : memref<1600xi32, #tpu.memory_space<vmem>>) target_semaphore(%arg8 : memref<!tpu.dma_semaphore, #tpu.memory_space<semaphore_mem>>)
    %scan3A = arith.constant 0 : i32
    %scan3A_261 = arith.constant 14 : i32
    %scan3A_262 = arith.addi %scan3A, %scan3A_261 : i32
    %scan3A_263 = arith.constant 1 : i32
    scf.for %scan3A_589 = %scan3A to %scan3A_262 step %scan3A_263  : i32 {
      %mul3A_590 = arith.constant 1 : i32
      %mul3A_591 = arith.muli %scan3A_589, %mul3A_590 : i32
      %add3A_592 = arith.constant 1 : i32
      %add3A_593 = arith.addi %add3A_592, %mul3A_591 : i32
      %mul3A_594 = arith.constant 4 : i32
      %mul3A_595 = arith.muli %add3A_593, %mul3A_594 : i32
      %add3A_596 = arith.constant 0 : i32
      %add3A_597 = arith.addi %mul3A_595, %add3A_596 : i32
      %dma_wait3A_598 = arith.constant 0 : i32
      %dma_wait3A_599 = arith.constant 0 : i32
      %dma_wait3A_600 = tpu.memref_slice %arg5[%dma_wait3A_598, %dma_wait3A_599] : memref<4x1600xi32, #tpu.memory_space<vmem>> -> memref<1x1600xi32, #tpu.memory_space<vmem>>
      %dma_wait3A_601 = tpu.memref_squeeze %dma_wait3A_600 : memref<1x1600xi32, #tpu.memory_space<vmem>> -> memref<1600xi32, #tpu.memory_space<vmem>>
      %dma_wait3A_602 = tpu.memref_slice %arg2[%mul3A_2] : memref<3276800xi32, #tpu.memory_space<hbm>> -> memref<1600xi32, #tpu.memory_space<hbm>>
      %dma_wait3A_603 = arith.constant 0 : i32
      %dma_wait3A_604 = tpu.memref_slice %arg5[%dma_wait3A_598, %dma_wait3A_603] : memref<4x1600xi32, #tpu.memory_space<vmem>> -> memref<1x1600xi32, #tpu.memory_space<vmem>>
      %dma_wait3A_605 = tpu.memref_squeeze %dma_wait3A_604 : memref<1x1600xi32, #tpu.memory_space<vmem>> -> memref<1600xi32, #tpu.memory_space<vmem>>
      %dma_wait3A_606 = tpu.memref_slice %arg2[%mul3A_2] : memref<3276800xi32, #tpu.memory_space<hbm>> -> memref<1600xi32, #tpu.memory_space<hbm>>
      tpu.wait_dma2 semaphore(%arg7 : memref<!tpu.dma_semaphore, #tpu.memory_space<semaphore_mem>>) src(%dma_wait3A_606 : memref<1600xi32, #tpu.memory_space<hbm>>) dst(%dma_wait3A_605 : memref<1600xi32, #tpu.memory_space<vmem>>)
      %dma_wait3A_607 = arith.constant 0 : i32
      %dma_wait3A_608 = arith.constant 0 : i32
      %dma_wait3A_609 = arith.constant 0 : i32
      %dma_wait3A_610 = tpu.memref_slice %arg6[%dma_wait3A_607, %dma_wait3A_608, %dma_wait3A_609] : memref<2x1600x32xf32, #tpu.memory_space<vmem>> -> memref<1x1600x32xf32, #tpu.memory_space<vmem>>
      %dma_wait3A_611 = tpu.memref_squeeze %dma_wait3A_610 : memref<1x1600x32xf32, #tpu.memory_space<vmem>> -> memref<1600x32xf32, #tpu.memory_space<vmem>>
      %dma_wait3A_612 = arith.constant 0 : i32
      %dma_wait3A_613 = tpu.memref_slice %arg4[%mul3A_2, %dma_wait3A_612] : memref<3276800x32xf32, #tpu.memory_space<hbm>> -> memref<1600x32xf32, #tpu.memory_space<hbm>>
      %dma_wait3A_614 = arith.constant 0 : i32
      %dma_wait3A_615 = tpu.memref_slice %arg4[%mul3A_2, %dma_wait3A_614] : memref<3276800x32xf32, #tpu.memory_space<hbm>> -> memref<1600x32xf32, #tpu.memory_space<hbm>>
      %dma_wait3A_616 = arith.constant 0 : i32
      %dma_wait3A_617 = arith.constant 0 : i32
      %dma_wait3A_618 = tpu.memref_slice %arg6[%dma_wait3A_607, %dma_wait3A_616, %dma_wait3A_617] : memref<2x1600x32xf32, #tpu.memory_space<vmem>> -> memref<1x1600x32xf32, #tpu.memory_space<vmem>>
      %dma_wait3A_619 = tpu.memref_squeeze %dma_wait3A_618 : memref<1x1600x32xf32, #tpu.memory_space<vmem>> -> memref<1600x32xf32, #tpu.memory_space<vmem>>
      tpu.wait_dma2 semaphore(%arg13 : memref<!tpu.dma_semaphore, #tpu.memory_space<semaphore_mem>>) src(%dma_wait3A_619 : memref<1600x32xf32, #tpu.memory_space<vmem>>) dst(%dma_wait3A_615 : memref<1600x32xf32, #tpu.memory_space<hbm>>)
      %dma_start3A_620 = arith.constant 0 : i32
      %dma_start3A_621 = arith.constant 0 : i32
      %dma_start3A_622 = arith.constant 0 : i32
      %dma_start3A_623 = arith.constant 0 : i32
      %dma_start3A_624 = tpu.memref_slice %arg6[%dma_start3A_621, %dma_start3A_622, %dma_start3A_623] : memref<2x1600x32xf32, #tpu.memory_space<vmem>> -> memref<1x1600x32xf32, #tpu.memory_space<vmem>>
      %dma_start3A_625 = tpu.memref_squeeze %dma_start3A_624 : memref<1x1600x32xf32, #tpu.memory_space<vmem>> -> memref<1600x32xf32, #tpu.memory_space<vmem>>
      %dma_start3A_626 = arith.constant 0 : i32
      %dma_start3A_627 = tpu.memref_slice %arg5[%dma_start3A_620, %dma_start3A_626] : memref<4x1600xi32, #tpu.memory_space<vmem>> -> memref<1x1600xi32, #tpu.memory_space<vmem>>
      %dma_start3A_628 = tpu.memref_squeeze %dma_start3A_627 : memref<1x1600xi32, #tpu.memory_space<vmem>> -> memref<1600xi32, #tpu.memory_space<vmem>>
      %dma_start3A_629 = arith.constant 0 : i32
      %dma_start3A_630 = arith.constant 0 : i32
      %dma_start3A_631 = tpu.memref_slice %arg3[%dma_start3A_629, %dma_start3A_630] : memref<1000000x32xf32, #tpu.memory_space<hbm>> -> memref<1000000x32xf32, #tpu.memory_space<hbm>>
      tpu.enqueue_indirect_dma source(%dma_start3A_631 : memref<1000000x32xf32, #tpu.memory_space<hbm>>) target(%dma_start3A_625 : memref<1600x32xf32, #tpu.memory_space<vmem>>) offsets(%dma_start3A_628 : memref<1600xi32, #tpu.memory_space<vmem>>) semaphore(%arg11 : memref<!tpu.dma_semaphore, #tpu.memory_space<semaphore_mem>>)
      %dma_wait3A_632 = arith.constant 1 : i32
      %dma_wait3A_633 = arith.constant 0 : i32
      %dma_wait3A_634 = arith.constant 0 : i32
      %dma_wait3A_635 = tpu.memref_slice %arg6[%dma_wait3A_632, %dma_wait3A_633, %dma_wait3A_634] : memref<2x1600x32xf32, #tpu.memory_space<vmem>> -> memref<1x1600x32xf32, #tpu.memory_space<vmem>>
      %dma_wait3A_636 = tpu.memref_squeeze %dma_wait3A_635 : memref<1x1600x32xf32, #tpu.memory_space<vmem>> -> memref<1600x32xf32, #tpu.memory_space<vmem>>
      %dma_wait3A_637 = arith.constant 0 : i32
      %dma_wait3A_638 = tpu.memref_slice %arg4[%mul3A_2, %dma_wait3A_637] : memref<3276800x32xf32, #tpu.memory_space<hbm>> -> memref<1600x32xf32, #tpu.memory_space<hbm>>
      %dma_wait3A_639 = arith.constant 0 : i32
      %dma_wait3A_640 = arith.constant 0 : i32
      %dma_wait3A_641 = tpu.memref_slice %arg6[%dma_wait3A_632, %dma_wait3A_639, %dma_wait3A_640] : memref<2x1600x32xf32, #tpu.memory_space<vmem>> -> memref<1x1600x32xf32, #tpu.memory_space<vmem>>
      %dma_wait3A_642 = tpu.memref_squeeze %dma_wait3A_641 : memref<1x1600x32xf32, #tpu.memory_space<vmem>> -> memref<1600x32xf32, #tpu.memory_space<vmem>>
      %dma_wait3A_643 = arith.constant 0 : i32
      %dma_wait3A_644 = tpu.memref_slice %arg4[%mul3A_2, %dma_wait3A_643] : memref<3276800x32xf32, #tpu.memory_space<hbm>> -> memref<1600x32xf32, #tpu.memory_space<hbm>>
      tpu.wait_dma2 semaphore(%arg12 : memref<!tpu.dma_semaphore, #tpu.memory_space<semaphore_mem>>) src(%dma_wait3A_644 : memref<1600x32xf32, #tpu.memory_space<hbm>>) dst(%dma_wait3A_642 : memref<1600x32xf32, #tpu.memory_space<vmem>>)
      %sub3A = arith.constant 1 : i32
      %sub3A_645 = arith.subi %add3A_597, %sub3A : i32
      %mul3A_646 = arith.constant 1600 : i32
      %mul3A_647 = arith.muli %sub3A_645, %mul3A_646 : i32
      %add3A_648 = arith.addi %mul3A_2, %mul3A_647 : i32
      %dma_start3A_649 = arith.constant 1 : i32
      %dma_start3A_650 = arith.constant 0 : i32
      %dma_start3A_651 = arith.constant 0 : i32
      %dma_start3A_652 = tpu.memref_slice %arg6[%dma_start3A_649, %dma_start3A_650, %dma_start3A_651] : memref<2x1600x32xf32, #tpu.memory_space<vmem>> -> memref<1x1600x32xf32, #tpu.memory_space<vmem>>
      %dma_start3A_653 = tpu.memref_squeeze %dma_start3A_652 : memref<1x1600x32xf32, #tpu.memory_space<vmem>> -> memref<1600x32xf32, #tpu.memory_space<vmem>>
      %dma_start3A_654 = arith.constant 0 : i32
      %dma_start3A_655 = tpu.memref_slice %arg4[%add3A_648, %dma_start3A_654] : memref<3276800x32xf32, #tpu.memory_space<hbm>> -> memref<1600x32xf32, #tpu.memory_space<hbm>>
      %dma_start3A_656 = arith.constant 0 : i32
      %dma_start3A_657 = tpu.memref_slice %arg4[%add3A_648, %dma_start3A_656] : memref<3276800x32xf32, #tpu.memory_space<hbm>> -> memref<1600x32xf32, #tpu.memory_space<hbm>>
      %dma_start3A_658 = arith.constant 0 : i32
      %dma_start3A_659 = arith.constant 0 : i32
      %dma_start3A_660 = tpu.memref_slice %arg6[%dma_start3A_649, %dma_start3A_658, %dma_start3A_659] : memref<2x1600x32xf32, #tpu.memory_space<vmem>> -> memref<1x1600x32xf32, #tpu.memory_space<vmem>>
      %dma_start3A_661 = tpu.memref_squeeze %dma_start3A_660 : memref<1x1600x32xf32, #tpu.memory_space<vmem>> -> memref<1600x32xf32, #tpu.memory_space<vmem>>
      tpu.enqueue_dma source(%dma_start3A_661 : memref<1600x32xf32, #tpu.memory_space<vmem>>) target(%dma_start3A_657 : memref<1600x32xf32, #tpu.memory_space<hbm>>) target_semaphore(%arg14 : memref<!tpu.dma_semaphore, #tpu.memory_space<semaphore_mem>>)
      %add3A_662 = arith.constant 2 : i32
      %add3A_663 = arith.addi %add3A_597, %add3A_662 : i32
      %mul3A_664 = arith.constant 1600 : i32
      %mul3A_665 = arith.muli %add3A_663, %mul3A_664 : i32
      %add3A_666 = arith.addi %mul3A_2, %mul3A_665 : i32
      %dma_start3A_667 = arith.constant 2 : i32
      %dma_start3A_668 = arith.constant 0 : i32
      %dma_start3A_669 = tpu.memref_slice %arg5[%dma_start3A_667, %dma_start3A_668] : memref<4x1600xi32, #tpu.memory_space<vmem>> -> memref<1x1600xi32, #tpu.memory_space<vmem>>
      %dma_start3A_670 = tpu.memref_squeeze %dma_start3A_669 : memref<1x1600xi32, #tpu.memory_space<vmem>> -> memref<1600xi32, #tpu.memory_space<vmem>>
      %dma_start3A_671 = tpu.memref_slice %arg2[%add3A_666] : memref<3276800xi32, #tpu.memory_space<hbm>> -> memref<1600xi32, #tpu.memory_space<hbm>>
      %dma_start3A_672 = arith.constant 0 : i32
      %dma_start3A_673 = tpu.memref_slice %arg5[%dma_start3A_667, %dma_start3A_672] : memref<4x1600xi32, #tpu.memory_space<vmem>> -> memref<1x1600xi32, #tpu.memory_space<vmem>>
      %dma_start3A_674 = tpu.memref_squeeze %dma_start3A_673 : memref<1x1600xi32, #tpu.memory_space<vmem>> -> memref<1600xi32, #tpu.memory_space<vmem>>
      %dma_start3A_675 = tpu.memref_slice %arg2[%add3A_666] : memref<3276800xi32, #tpu.memory_space<hbm>> -> memref<1600xi32, #tpu.memory_space<hbm>>
      tpu.enqueue_dma source(%dma_start3A_675 : memref<1600xi32, #tpu.memory_space<hbm>>) target(%dma_start3A_674 : memref<1600xi32, #tpu.memory_space<vmem>>) target_semaphore(%arg9 : memref<!tpu.dma_semaphore, #tpu.memory_space<semaphore_mem>>)
      %add3A_676 = arith.constant 1 : i32
      %add3A_677 = arith.addi %mul3A_595, %add3A_676 : i32
      %dma_wait3A_678 = arith.constant 1 : i32
      %dma_wait3A_679 = arith.constant 0 : i32
      %dma_wait3A_680 = tpu.memref_slice %arg5[%dma_wait3A_678, %dma_wait3A_679] : memref<4x1600xi32, #tpu.memory_space<vmem>> -> memref<1x1600xi32, #tpu.memory_space<vmem>>
      %dma_wait3A_681 = tpu.memref_squeeze %dma_wait3A_680 : memref<1x1600xi32, #tpu.memory_space<vmem>> -> memref<1600xi32, #tpu.memory_space<vmem>>
      %dma_wait3A_682 = tpu.memref_slice %arg2[%mul3A_2] : memref<3276800xi32, #tpu.memory_space<hbm>> -> memref<1600xi32, #tpu.memory_space<hbm>>
      %dma_wait3A_683 = arith.constant 0 : i32
      %dma_wait3A_684 = tpu.memref_slice %arg5[%dma_wait3A_678, %dma_wait3A_683] : memref<4x1600xi32, #tpu.memory_space<vmem>> -> memref<1x1600xi32, #tpu.memory_space<vmem>>
      %dma_wait3A_685 = tpu.memref_squeeze %dma_wait3A_684 : memref<1x1600xi32, #tpu.memory_space<vmem>> -> memref<1600xi32, #tpu.memory_space<vmem>>
      %dma_wait3A_686 = tpu.memref_slice %arg2[%mul3A_2] : memref<3276800xi32, #tpu.memory_space<hbm>> -> memref<1600xi32, #tpu.memory_space<hbm>>
      tpu.wait_dma2 semaphore(%arg8 : memref<!tpu.dma_semaphore, #tpu.memory_space<semaphore_mem>>) src(%dma_wait3A_686 : memref<1600xi32, #tpu.memory_space<hbm>>) dst(%dma_wait3A_685 : memref<1600xi32, #tpu.memory_space<vmem>>)
      %dma_wait3A_687 = arith.constant 1 : i32
      %dma_wait3A_688 = arith.constant 0 : i32
      %dma_wait3A_689 = arith.constant 0 : i32
      %dma_wait3A_690 = tpu.memref_slice %arg6[%dma_wait3A_687, %dma_wait3A_688, %dma_wait3A_689] : memref<2x1600x32xf32, #tpu.memory_space<vmem>> -> memref<1x1600x32xf32, #tpu.memory_space<vmem>>
      %dma_wait3A_691 = tpu.memref_squeeze %dma_wait3A_690 : memref<1x1600x32xf32, #tpu.memory_space<vmem>> -> memref<1600x32xf32, #tpu.memory_space<vmem>>
      %dma_wait3A_692 = arith.constant 0 : i32
      %dma_wait3A_693 = tpu.memref_slice %arg4[%mul3A_2, %dma_wait3A_692] : memref<3276800x32xf32, #tpu.memory_space<hbm>> -> memref<1600x32xf32, #tpu.memory_space<hbm>>
      %dma_wait3A_694 = arith.constant 0 : i32
      %dma_wait3A_695 = tpu.memref_slice %arg4[%mul3A_2, %dma_wait3A_694] : memref<3276800x32xf32, #tpu.memory_space<hbm>> -> memref<1600x32xf32, #tpu.memory_space<hbm>>
      %dma_wait3A_696 = arith.constant 0 : i32
      %dma_wait3A_697 = arith.constant 0 : i32
      %dma_wait3A_698 = tpu.memref_slice %arg6[%dma_wait3A_687, %dma_wait3A_696, %dma_wait3A_697] : memref<2x1600x32xf32, #tpu.memory_space<vmem>> -> memref<1x1600x32xf32, #tpu.memory_space<vmem>>
      %dma_wait3A_699 = tpu.memref_squeeze %dma_wait3A_698 : memref<1x1600x32xf32, #tpu.memory_space<vmem>> -> memref<1600x32xf32, #tpu.memory_space<vmem>>
      tpu.wait_dma2 semaphore(%arg14 : memref<!tpu.dma_semaphore, #tpu.memory_space<semaphore_mem>>) src(%dma_wait3A_699 : memref<1600x32xf32, #tpu.memory_space<vmem>>) dst(%dma_wait3A_695 : memref<1600x32xf32, #tpu.memory_space<hbm>>)
      %dma_start3A_700 = arith.constant 1 : i32
      %dma_start3A_701 = arith.constant 1 : i32
      %dma_start3A_702 = arith.constant 0 : i32
      %dma_start3A_703 = arith.constant 0 : i32
      %dma_start3A_704 = tpu.memref_slice %arg6[%dma_start3A_701, %dma_start3A_702, %dma_start3A_703] : memref<2x1600x32xf32, #tpu.memory_space<vmem>> -> memref<1x1600x32xf32, #tpu.memory_space<vmem>>
      %dma_start3A_705 = tpu.memref_squeeze %dma_start3A_704 : memref<1x1600x32xf32, #tpu.memory_space<vmem>> -> memref<1600x32xf32, #tpu.memory_space<vmem>>
      %dma_start3A_706 = arith.constant 0 : i32
      %dma_start3A_707 = tpu.memref_slice %arg5[%dma_start3A_700, %dma_start3A_706] : memref<4x1600xi32, #tpu.memory_space<vmem>> -> memref<1x1600xi32, #tpu.memory_space<vmem>>
      %dma_start3A_708 = tpu.memref_squeeze %dma_start3A_707 : memref<1x1600xi32, #tpu.memory_space<vmem>> -> memref<1600xi32, #tpu.memory_space<vmem>>
      %dma_start3A_709 = arith.constant 0 : i32
      %dma_start3A_710 = arith.constant 0 : i32
      %dma_start3A_711 = tpu.memref_slice %arg3[%dma_start3A_709, %dma_start3A_710] : memref<1000000x32xf32, #tpu.memory_space<hbm>> -> memref<1000000x32xf32, #tpu.memory_space<hbm>>
      tpu.enqueue_indirect_dma source(%dma_start3A_711 : memref<1000000x32xf32, #tpu.memory_space<hbm>>) target(%dma_start3A_705 : memref<1600x32xf32, #tpu.memory_space<vmem>>) offsets(%dma_start3A_708 : memref<1600xi32, #tpu.memory_space<vmem>>) semaphore(%arg12 : memref<!tpu.dma_semaphore, #tpu.memory_space<semaphore_mem>>)
      %dma_wait3A_712 = arith.constant 0 : i32
      %dma_wait3A_713 = arith.constant 0 : i32
      %dma_wait3A_714 = arith.constant 0 : i32
      %dma_wait3A_715 = tpu.memref_slice %arg6[%dma_wait3A_712, %dma_wait3A_713, %dma_wait3A_714] : memref<2x1600x32xf32, #tpu.memory_space<vmem>> -> memref<1x1600x32xf32, #tpu.memory_space<vmem>>
      %dma_wait3A_716 = tpu.memref_squeeze %dma_wait3A_715 : memref<1x1600x32xf32, #tpu.memory_space<vmem>> -> memref<1600x32xf32, #tpu.memory_space<vmem>>
      %dma_wait3A_717 = arith.constant 0 : i32
      %dma_wait3A_718 = tpu.memref_slice %arg4[%mul3A_2, %dma_wait3A_717] : memref<3276800x32xf32, #tpu.memory_space<hbm>> -> memref<1600x32xf32, #tpu.memory_space<hbm>>
      %dma_wait3A_719 = arith.constant 0 : i32
      %dma_wait3A_720 = arith.constant 0 : i32
      %dma_wait3A_721 = tpu.memref_slice %arg6[%dma_wait3A_712, %dma_wait3A_719, %dma_wait3A_720] : memref<2x1600x32xf32, #tpu.memory_space<vmem>> -> memref<1x1600x32xf32, #tpu.memory_space<vmem>>
      %dma_wait3A_722 = tpu.memref_squeeze %dma_wait3A_721 : memref<1x1600x32xf32, #tpu.memory_space<vmem>> -> memref<1600x32xf32, #tpu.memory_space<vmem>>
      %dma_wait3A_723 = arith.constant 0 : i32
      %dma_wait3A_724 = tpu.memref_slice %arg4[%mul3A_2, %dma_wait3A_723] : memref<3276800x32xf32, #tpu.memory_space<hbm>> -> memref<1600x32xf32, #tpu.memory_space<hbm>>
      tpu.wait_dma2 semaphore(%arg11 : memref<!tpu.dma_semaphore, #tpu.memory_space<semaphore_mem>>) src(%dma_wait3A_724 : memref<1600x32xf32, #tpu.memory_space<hbm>>) dst(%dma_wait3A_722 : memref<1600x32xf32, #tpu.memory_space<vmem>>)
      %sub3A_725 = arith.constant 1 : i32
      %sub3A_726 = arith.subi %add3A_677, %sub3A_725 : i32
      %mul3A_727 = arith.constant 1600 : i32
      %mul3A_728 = arith.muli %sub3A_726, %mul3A_727 : i32
      %add3A_729 = arith.addi %mul3A_2, %mul3A_728 : i32
      %dma_start3A_730 = arith.constant 0 : i32
      %dma_start3A_731 = arith.constant 0 : i32
      %dma_start3A_732 = arith.constant 0 : i32
      %dma_start3A_733 = tpu.memref_slice %arg6[%dma_start3A_730, %dma_start3A_731, %dma_start3A_732] : memref<2x1600x32xf32, #tpu.memory_space<vmem>> -> memref<1x1600x32xf32, #tpu.memory_space<vmem>>
      %dma_start3A_734 = tpu.memref_squeeze %dma_start3A_733 : memref<1x1600x32xf32, #tpu.memory_space<vmem>> -> memref<1600x32xf32, #tpu.memory_space<vmem>>
      %dma_start3A_735 = arith.constant 0 : i32
      %dma_start3A_736 = tpu.memref_slice %arg4[%add3A_729, %dma_start3A_735] : memref<3276800x32xf32, #tpu.memory_space<hbm>> -> memref<1600x32xf32, #tpu.memory_space<hbm>>
      %dma_start3A_737 = arith.constant 0 : i32
      %dma_start3A_738 = tpu.memref_slice %arg4[%add3A_729, %dma_start3A_737] : memref<3276800x32xf32, #tpu.memory_space<hbm>> -> memref<1600x32xf32, #tpu.memory_space<hbm>>
      %dma_start3A_739 = arith.constant 0 : i32
      %dma_start3A_740 = arith.constant 0 : i32
      %dma_start3A_741 = tpu.memref_slice %arg6[%dma_start3A_730, %dma_start3A_739, %dma_start3A_740] : memref<2x1600x32xf32, #tpu.memory_space<vmem>> -> memref<1x1600x32xf32, #tpu.memory_space<vmem>>
      %dma_start3A_742 = tpu.memref_squeeze %dma_start3A_741 : memref<1x1600x32xf32, #tpu.memory_space<vmem>> -> memref<1600x32xf32, #tpu.memory_space<vmem>>
      tpu.enqueue_dma source(%dma_start3A_742 : memref<1600x32xf32, #tpu.memory_space<vmem>>) target(%dma_start3A_738 : memref<1600x32xf32, #tpu.memory_space<hbm>>) target_semaphore(%arg13 : memref<!tpu.dma_semaphore, #tpu.memory_space<semaphore_mem>>)
      %add3A_743 = arith.constant 2 : i32
      %add3A_744 = arith.addi %add3A_677, %add3A_743 : i32
      %mul3A_745 = arith.constant 1600 : i32
      %mul3A_746 = arith.muli %add3A_744, %mul3A_745 : i32
      %add3A_747 = arith.addi %mul3A_2, %mul3A_746 : i32
      %dma_start3A_748 = arith.constant 3 : i32
      %dma_start3A_749 = arith.constant 0 : i32
      %dma_start3A_750 = tpu.memref_slice %arg5[%dma_start3A_748, %dma_start3A_749] : memref<4x1600xi32, #tpu.memory_space<vmem>> -> memref<1x1600xi32, #tpu.memory_space<vmem>>
      %dma_start3A_751 = tpu.memref_squeeze %dma_start3A_750 : memref<1x1600xi32, #tpu.memory_space<vmem>> -> memref<1600xi32, #tpu.memory_space<vmem>>
      %dma_start3A_752 = tpu.memref_slice %arg2[%add3A_747] : memref<3276800xi32, #tpu.memory_space<hbm>> -> memref<1600xi32, #tpu.memory_space<hbm>>
      %dma_start3A_753 = arith.constant 0 : i32
      %dma_start3A_754 = tpu.memref_slice %arg5[%dma_start3A_748, %dma_start3A_753] : memref<4x1600xi32, #tpu.memory_space<vmem>> -> memref<1x1600xi32, #tpu.memory_space<vmem>>
      %dma_start3A_755 = tpu.memref_squeeze %dma_start3A_754 : memref<1x1600xi32, #tpu.memory_space<vmem>> -> memref<1600xi32, #tpu.memory_space<vmem>>
      %dma_start3A_756 = tpu.memref_slice %arg2[%add3A_747] : memref<3276800xi32, #tpu.memory_space<hbm>> -> memref<1600xi32, #tpu.memory_space<hbm>>
      tpu.enqueue_dma source(%dma_start3A_756 : memref<1600xi32, #tpu.memory_space<hbm>>) target(%dma_start3A_755 : memref<1600xi32, #tpu.memory_space<vmem>>) target_semaphore(%arg10 : memref<!tpu.dma_semaphore, #tpu.memory_space<semaphore_mem>>)
      %add3A_757 = arith.constant 2 : i32
      %add3A_758 = arith.addi %mul3A_595, %add3A_757 : i32
      %dma_wait3A_759 = arith.constant 2 : i32
      %dma_wait3A_760 = arith.constant 0 : i32
      %dma_wait3A_761 = tpu.memref_slice %arg5[%dma_wait3A_759, %dma_wait3A_760] : memref<4x1600xi32, #tpu.memory_space<vmem>> -> memref<1x1600xi32, #tpu.memory_space<vmem>>
      %dma_wait3A_762 = tpu.memref_squeeze %dma_wait3A_761 : memref<1x1600xi32, #tpu.memory_space<vmem>> -> memref<1600xi32, #tpu.memory_space<vmem>>
      %dma_wait3A_763 = tpu.memref_slice %arg2[%mul3A_2] : memref<3276800xi32, #tpu.memory_space<hbm>> -> memref<1600xi32, #tpu.memory_space<hbm>>
      %dma_wait3A_764 = arith.constant 0 : i32
      %dma_wait3A_765 = tpu.memref_slice %arg5[%dma_wait3A_759, %dma_wait3A_764] : memref<4x1600xi32, #tpu.memory_space<vmem>> -> memref<1x1600xi32, #tpu.memory_space<vmem>>
      %dma_wait3A_766 = tpu.memref_squeeze %dma_wait3A_765 : memref<1x1600xi32, #tpu.memory_space<vmem>> -> memref<1600xi32, #tpu.memory_space<vmem>>
      %dma_wait3A_767 = tpu.memref_slice %arg2[%mul3A_2] : memref<3276800xi32, #tpu.memory_space<hbm>> -> memref<1600xi32, #tpu.memory_space<hbm>>
      tpu.wait_dma2 semaphore(%arg9 : memref<!tpu.dma_semaphore, #tpu.memory_space<semaphore_mem>>) src(%dma_wait3A_767 : memref<1600xi32, #tpu.memory_space<hbm>>) dst(%dma_wait3A_766 : memref<1600xi32, #tpu.memory_space<vmem>>)
      %dma_wait3A_768 = arith.constant 0 : i32
      %dma_wait3A_769 = arith.constant 0 : i32
      %dma_wait3A_770 = arith.constant 0 : i32
      %dma_wait3A_771 = tpu.memref_slice %arg6[%dma_wait3A_768, %dma_wait3A_769, %dma_wait3A_770] : memref<2x1600x32xf32, #tpu.memory_space<vmem>> -> memref<1x1600x32xf32, #tpu.memory_space<vmem>>
      %dma_wait3A_772 = tpu.memref_squeeze %dma_wait3A_771 : memref<1x1600x32xf32, #tpu.memory_space<vmem>> -> memref<1600x32xf32, #tpu.memory_space<vmem>>
      %dma_wait3A_773 = arith.constant 0 : i32
      %dma_wait3A_774 = tpu.memref_slice %arg4[%mul3A_2, %dma_wait3A_773] : memref<3276800x32xf32, #tpu.memory_space<hbm>> -> memref<1600x32xf32, #tpu.memory_space<hbm>>
      %dma_wait3A_775 = arith.constant 0 : i32
      %dma_wait3A_776 = tpu.memref_slice %arg4[%mul3A_2, %dma_wait3A_775] : memref<3276800x32xf32, #tpu.memory_space<hbm>> -> memref<1600x32xf32, #tpu.memory_space<hbm>>
      %dma_wait3A_777 = arith.constant 0 : i32
      %dma_wait3A_778 = arith.constant 0 : i32
      %dma_wait3A_779 = tpu.memref_slice %arg6[%dma_wait3A_768, %dma_wait3A_777, %dma_wait3A_778] : memref<2x1600x32xf32, #tpu.memory_space<vmem>> -> memref<1x1600x32xf32, #tpu.memory_space<vmem>>
      %dma_wait3A_780 = tpu.memref_squeeze %dma_wait3A_779 : memref<1x1600x32xf32, #tpu.memory_space<vmem>> -> memref<1600x32xf32, #tpu.memory_space<vmem>>
      tpu.wait_dma2 semaphore(%arg13 : memref<!tpu.dma_semaphore, #tpu.memory_space<semaphore_mem>>) src(%dma_wait3A_780 : memref<1600x32xf32, #tpu.memory_space<vmem>>) dst(%dma_wait3A_776 : memref<1600x32xf32, #tpu.memory_space<hbm>>)
      %dma_start3A_781 = arith.constant 2 : i32
      %dma_start3A_782 = arith.constant 0 : i32
      %dma_start3A_783 = arith.constant 0 : i32
      %dma_start3A_784 = arith.constant 0 : i32
      %dma_start3A_785 = tpu.memref_slice %arg6[%dma_start3A_782, %dma_start3A_783, %dma_start3A_784] : memref<2x1600x32xf32, #tpu.memory_space<vmem>> -> memref<1x1600x32xf32, #tpu.memory_space<vmem>>
      %dma_start3A_786 = tpu.memref_squeeze %dma_start3A_785 : memref<1x1600x32xf32, #tpu.memory_space<vmem>> -> memref<1600x32xf32, #tpu.memory_space<vmem>>
      %dma_start3A_787 = arith.constant 0 : i32
      %dma_start3A_788 = tpu.memref_slice %arg5[%dma_start3A_781, %dma_start3A_787] : memref<4x1600xi32, #tpu.memory_space<vmem>> -> memref<1x1600xi32, #tpu.memory_space<vmem>>
      %dma_start3A_789 = tpu.memref_squeeze %dma_start3A_788 : memref<1x1600xi32, #tpu.memory_space<vmem>> -> memref<1600xi32, #tpu.memory_space<vmem>>
      %dma_start3A_790 = arith.constant 0 : i32
      %dma_start3A_791 = arith.constant 0 : i32
      %dma_start3A_792 = tpu.memref_slice %arg3[%dma_start3A_790, %dma_start3A_791] : memref<1000000x32xf32, #tpu.memory_space<hbm>> -> memref<1000000x32xf32, #tpu.memory_space<hbm>>
      tpu.enqueue_indirect_dma source(%dma_start3A_792 : memref<1000000x32xf32, #tpu.memory_space<hbm>>) target(%dma_start3A_786 : memref<1600x32xf32, #tpu.memory_space<vmem>>) offsets(%dma_start3A_789 : memref<1600xi32, #tpu.memory_space<vmem>>) semaphore(%arg11 : memref<!tpu.dma_semaphore, #tpu.memory_space<semaphore_mem>>)
      %dma_wait3A_793 = arith.constant 1 : i32
      %dma_wait3A_794 = arith.constant 0 : i32
      %dma_wait3A_795 = arith.constant 0 : i32
      %dma_wait3A_796 = tpu.memref_slice %arg6[%dma_wait3A_793, %dma_wait3A_794, %dma_wait3A_795] : memref<2x1600x32xf32, #tpu.memory_space<vmem>> -> memref<1x1600x32xf32, #tpu.memory_space<vmem>>
      %dma_wait3A_797 = tpu.memref_squeeze %dma_wait3A_796 : memref<1x1600x32xf32, #tpu.memory_space<vmem>> -> memref<1600x32xf32, #tpu.memory_space<vmem>>
      %dma_wait3A_798 = arith.constant 0 : i32
      %dma_wait3A_799 = tpu.memref_slice %arg4[%mul3A_2, %dma_wait3A_798] : memref<3276800x32xf32, #tpu.memory_space<hbm>> -> memref<1600x32xf32, #tpu.memory_space<hbm>>
      %dma_wait3A_800 = arith.constant 0 : i32
      %dma_wait3A_801 = arith.constant 0 : i32
      %dma_wait3A_802 = tpu.memref_slice %arg6[%dma_wait3A_793, %dma_wait3A_800, %dma_wait3A_801] : memref<2x1600x32xf32, #tpu.memory_space<vmem>> -> memref<1x1600x32xf32, #tpu.memory_space<vmem>>
      %dma_wait3A_803 = tpu.memref_squeeze %dma_wait3A_802 : memref<1x1600x32xf32, #tpu.memory_space<vmem>> -> memref<1600x32xf32, #tpu.memory_space<vmem>>
      %dma_wait3A_804 = arith.constant 0 : i32
      %dma_wait3A_805 = tpu.memref_slice %arg4[%mul3A_2, %dma_wait3A_804] : memref<3276800x32xf32, #tpu.memory_space<hbm>> -> memref<1600x32xf32, #tpu.memory_space<hbm>>
      tpu.wait_dma2 semaphore(%arg12 : memref<!tpu.dma_semaphore, #tpu.memory_space<semaphore_mem>>) src(%dma_wait3A_805 : memref<1600x32xf32, #tpu.memory_space<hbm>>) dst(%dma_wait3A_803 : memref<1600x32xf32, #tpu.memory_space<vmem>>)
      %sub3A_806 = arith.constant 1 : i32
      %sub3A_807 = arith.subi %add3A_758, %sub3A_806 : i32
      %mul3A_808 = arith.constant 1600 : i32
      %mul3A_809 = arith.muli %sub3A_807, %mul3A_808 : i32
      %add3A_810 = arith.addi %mul3A_2, %mul3A_809 : i32
      %dma_start3A_811 = arith.constant 1 : i32
      %dma_start3A_812 = arith.constant 0 : i32
      %dma_start3A_813 = arith.constant 0 : i32
      %dma_start3A_814 = tpu.memref_slice %arg6[%dma_start3A_811, %dma_start3A_812, %dma_start3A_813] : memref<2x1600x32xf32, #tpu.memory_space<vmem>> -> memref<1x1600x32xf32, #tpu.memory_space<vmem>>
      %dma_start3A_815 = tpu.memref_squeeze %dma_start3A_814 : memref<1x1600x32xf32, #tpu.memory_space<vmem>> -> memref<1600x32xf32, #tpu.memory_space<vmem>>
      %dma_start3A_816 = arith.constant 0 : i32
      %dma_start3A_817 = tpu.memref_slice %arg4[%add3A_810, %dma_start3A_816] : memref<3276800x32xf32, #tpu.memory_space<hbm>> -> memref<1600x32xf32, #tpu.memory_space<hbm>>
      %dma_start3A_818 = arith.constant 0 : i32
      %dma_start3A_819 = tpu.memref_slice %arg4[%add3A_810, %dma_start3A_818] : memref<3276800x32xf32, #tpu.memory_space<hbm>> -> memref<1600x32xf32, #tpu.memory_space<hbm>>
      %dma_start3A_820 = arith.constant 0 : i32
      %dma_start3A_821 = arith.constant 0 : i32
      %dma_start3A_822 = tpu.memref_slice %arg6[%dma_start3A_811, %dma_start3A_820, %dma_start3A_821] : memref<2x1600x32xf32, #tpu.memory_space<vmem>> -> memref<1x1600x32xf32, #tpu.memory_space<vmem>>
      %dma_start3A_823 = tpu.memref_squeeze %dma_start3A_822 : memref<1x1600x32xf32, #tpu.memory_space<vmem>> -> memref<1600x32xf32, #tpu.memory_space<vmem>>
      tpu.enqueue_dma source(%dma_start3A_823 : memref<1600x32xf32, #tpu.memory_space<vmem>>) target(%dma_start3A_819 : memref<1600x32xf32, #tpu.memory_space<hbm>>) target_semaphore(%arg14 : memref<!tpu.dma_semaphore, #tpu.memory_space<semaphore_mem>>)
      %add3A_824 = arith.constant 2 : i32
      %add3A_825 = arith.addi %add3A_758, %add3A_824 : i32
      %mul3A_826 = arith.constant 1600 : i32
      %mul3A_827 = arith.muli %add3A_825, %mul3A_826 : i32
      %add3A_828 = arith.addi %mul3A_2, %mul3A_827 : i32
      %dma_start3A_829 = arith.constant 0 : i32
      %dma_start3A_830 = arith.constant 0 : i32
      %dma_start3A_831 = tpu.memref_slice %arg5[%dma_start3A_829, %dma_start3A_830] : memref<4x1600xi32, #tpu.memory_space<vmem>> -> memref<1x1600xi32, #tpu.memory_space<vmem>>
      %dma_start3A_832 = tpu.memref_squeeze %dma_start3A_831 : memref<1x1600xi32, #tpu.memory_space<vmem>> -> memref<1600xi32, #tpu.memory_space<vmem>>
      %dma_start3A_833 = tpu.memref_slice %arg2[%add3A_828] : memref<3276800xi32, #tpu.memory_space<hbm>> -> memref<1600xi32, #tpu.memory_space<hbm>>
      %dma_start3A_834 = arith.constant 0 : i32
      %dma_start3A_835 = tpu.memref_slice %arg5[%dma_start3A_829, %dma_start3A_834] : memref<4x1600xi32, #tpu.memory_space<vmem>> -> memref<1x1600xi32, #tpu.memory_space<vmem>>
      %dma_start3A_836 = tpu.memref_squeeze %dma_start3A_835 : memref<1x1600xi32, #tpu.memory_space<vmem>> -> memref<1600xi32, #tpu.memory_space<vmem>>
      %dma_start3A_837 = tpu.memref_slice %arg2[%add3A_828] : memref<3276800xi32, #tpu.memory_space<hbm>> -> memref<1600xi32, #tpu.memory_space<hbm>>
      tpu.enqueue_dma source(%dma_start3A_837 : memref<1600xi32, #tpu.memory_space<hbm>>) target(%dma_start3A_836 : memref<1600xi32, #tpu.memory_space<vmem>>) target_semaphore(%arg7 : memref<!tpu.dma_semaphore, #tpu.memory_space<semaphore_mem>>)
      %add3A_838 = arith.constant 3 : i32
      %add3A_839 = arith.addi %mul3A_595, %add3A_838 : i32
      %dma_wait3A_840 = arith.constant 3 : i32
      %dma_wait3A_841 = arith.constant 0 : i32
      %dma_wait3A_842 = tpu.memref_slice %arg5[%dma_wait3A_840, %dma_wait3A_841] : memref<4x1600xi32, #tpu.memory_space<vmem>> -> memref<1x1600xi32, #tpu.memory_space<vmem>>
      %dma_wait3A_843 = tpu.memref_squeeze %dma_wait3A_842 : memref<1x1600xi32, #tpu.memory_space<vmem>> -> memref<1600xi32, #tpu.memory_space<vmem>>
      %dma_wait3A_844 = tpu.memref_slice %arg2[%mul3A_2] : memref<3276800xi32, #tpu.memory_space<hbm>> -> memref<1600xi32, #tpu.memory_space<hbm>>
      %dma_wait3A_845 = arith.constant 0 : i32
      %dma_wait3A_846 = tpu.memref_slice %arg5[%dma_wait3A_840, %dma_wait3A_845] : memref<4x1600xi32, #tpu.memory_space<vmem>> -> memref<1x1600xi32, #tpu.memory_space<vmem>>
      %dma_wait3A_847 = tpu.memref_squeeze %dma_wait3A_846 : memref<1x1600xi32, #tpu.memory_space<vmem>> -> memref<1600xi32, #tpu.memory_space<vmem>>
      %dma_wait3A_848 = tpu.memref_slice %arg2[%mul3A_2] : memref<3276800xi32, #tpu.memory_space<hbm>> -> memref<1600xi32, #tpu.memory_space<hbm>>
      tpu.wait_dma2 semaphore(%arg10 : memref<!tpu.dma_semaphore, #tpu.memory_space<semaphore_mem>>) src(%dma_wait3A_848 : memref<1600xi32, #tpu.memory_space<hbm>>) dst(%dma_wait3A_847 : memref<1600xi32, #tpu.memory_space<vmem>>)
      %dma_wait3A_849 = arith.constant 1 : i32
      %dma_wait3A_850 = arith.constant 0 : i32
      %dma_wait3A_851 = arith.constant 0 : i32
      %dma_wait3A_852 = tpu.memref_slice %arg6[%dma_wait3A_849, %dma_wait3A_850, %dma_wait3A_851] : memref<2x1600x32xf32, #tpu.memory_space<vmem>> -> memref<1x1600x32xf32, #tpu.memory_space<vmem>>
      %dma_wait3A_853 = tpu.memref_squeeze %dma_wait3A_852 : memref<1x1600x32xf32, #tpu.memory_space<vmem>> -> memref<1600x32xf32, #tpu.memory_space<vmem>>
      %dma_wait3A_854 = arith.constant 0 : i32
      %dma_wait3A_855 = tpu.memref_slice %arg4[%mul3A_2, %dma_wait3A_854] : memref<3276800x32xf32, #tpu.memory_space<hbm>> -> memref<1600x32xf32, #tpu.memory_space<hbm>>
      %dma_wait3A_856 = arith.constant 0 : i32
      %dma_wait3A_857 = tpu.memref_slice %arg4[%mul3A_2, %dma_wait3A_856] : memref<3276800x32xf32, #tpu.memory_space<hbm>> -> memref<1600x32xf32, #tpu.memory_space<hbm>>
      %dma_wait3A_858 = arith.constant 0 : i32
      %dma_wait3A_859 = arith.constant 0 : i32
      %dma_wait3A_860 = tpu.memref_slice %arg6[%dma_wait3A_849, %dma_wait3A_858, %dma_wait3A_859] : memref<2x1600x32xf32, #tpu.memory_space<vmem>> -> memref<1x1600x32xf32, #tpu.memory_space<vmem>>
      %dma_wait3A_861 = tpu.memref_squeeze %dma_wait3A_860 : memref<1x1600x32xf32, #tpu.memory_space<vmem>> -> memref<1600x32xf32, #tpu.memory_space<vmem>>
      tpu.wait_dma2 semaphore(%arg14 : memref<!tpu.dma_semaphore, #tpu.memory_space<semaphore_mem>>) src(%dma_wait3A_861 : memref<1600x32xf32, #tpu.memory_space<vmem>>) dst(%dma_wait3A_857 : memref<1600x32xf32, #tpu.memory_space<hbm>>)
      %dma_start3A_862 = arith.constant 3 : i32
      %dma_start3A_863 = arith.constant 1 : i32
      %dma_start3A_864 = arith.constant 0 : i32
      %dma_start3A_865 = arith.constant 0 : i32
      %dma_start3A_866 = tpu.memref_slice %arg6[%dma_start3A_863, %dma_start3A_864, %dma_start3A_865] : memref<2x1600x32xf32, #tpu.memory_space<vmem>> -> memref<1x1600x32xf32, #tpu.memory_space<vmem>>
      %dma_start3A_867 = tpu.memref_squeeze %dma_start3A_866 : memref<1x1600x32xf32, #tpu.memory_space<vmem>> -> memref<1600x32xf32, #tpu.memory_space<vmem>>
      %dma_start3A_868 = arith.constant 0 : i32
      %dma_start3A_869 = tpu.memref_slice %arg5[%dma_start3A_862, %dma_start3A_868] : memref<4x1600xi32, #tpu.memory_space<vmem>> -> memref<1x1600xi32, #tpu.memory_space<vmem>>
      %dma_start3A_870 = tpu.memref_squeeze %dma_start3A_869 : memref<1x1600xi32, #tpu.memory_space<vmem>> -> memref<1600xi32, #tpu.memory_space<vmem>>
      %dma_start3A_871 = arith.constant 0 : i32
      %dma_start3A_872 = arith.constant 0 : i32
      %dma_start3A_873 = tpu.memref_slice %arg3[%dma_start3A_871, %dma_start3A_872] : memref<1000000x32xf32, #tpu.memory_space<hbm>> -> memref<1000000x32xf32, #tpu.memory_space<hbm>>
      tpu.enqueue_indirect_dma source(%dma_start3A_873 : memref<1000000x32xf32, #tpu.memory_space<hbm>>) target(%dma_start3A_867 : memref<1600x32xf32, #tpu.memory_space<vmem>>) offsets(%dma_start3A_870 : memref<1600xi32, #tpu.memory_space<vmem>>) semaphore(%arg12 : memref<!tpu.dma_semaphore, #tpu.memory_space<semaphore_mem>>)
      %dma_wait3A_874 = arith.constant 0 : i32
      %dma_wait3A_875 = arith.constant 0 : i32
      %dma_wait3A_876 = arith.constant 0 : i32
      %dma_wait3A_877 = tpu.memref_slice %arg6[%dma_wait3A_874, %dma_wait3A_875, %dma_wait3A_876] : memref<2x1600x32xf32, #tpu.memory_space<vmem>> -> memref<1x1600x32xf32, #tpu.memory_space<vmem>>
      %dma_wait3A_878 = tpu.memref_squeeze %dma_wait3A_877 : memref<1x1600x32xf32, #tpu.memory_space<vmem>> -> memref<1600x32xf32, #tpu.memory_space<vmem>>
      %dma_wait3A_879 = arith.constant 0 : i32
      %dma_wait3A_880 = tpu.memref_slice %arg4[%mul3A_2, %dma_wait3A_879] : memref<3276800x32xf32, #tpu.memory_space<hbm>> -> memref<1600x32xf32, #tpu.memory_space<hbm>>
      %dma_wait3A_881 = arith.constant 0 : i32
      %dma_wait3A_882 = arith.constant 0 : i32
      %dma_wait3A_883 = tpu.memref_slice %arg6[%dma_wait3A_874, %dma_wait3A_881, %dma_wait3A_882] : memref<2x1600x32xf32, #tpu.memory_space<vmem>> -> memref<1x1600x32xf32, #tpu.memory_space<vmem>>
      %dma_wait3A_884 = tpu.memref_squeeze %dma_wait3A_883 : memref<1x1600x32xf32, #tpu.memory_space<vmem>> -> memref<1600x32xf32, #tpu.memory_space<vmem>>
      %dma_wait3A_885 = arith.constant 0 : i32
      %dma_wait3A_886 = tpu.memref_slice %arg4[%mul3A_2, %dma_wait3A_885] : memref<3276800x32xf32, #tpu.memory_space<hbm>> -> memref<1600x32xf32, #tpu.memory_space<hbm>>
      tpu.wait_dma2 semaphore(%arg11 : memref<!tpu.dma_semaphore, #tpu.memory_space<semaphore_mem>>) src(%dma_wait3A_886 : memref<1600x32xf32, #tpu.memory_space<hbm>>) dst(%dma_wait3A_884 : memref<1600x32xf32, #tpu.memory_space<vmem>>)
      %sub3A_887 = arith.constant 1 : i32
      %sub3A_888 = arith.subi %add3A_839, %sub3A_887 : i32
      %mul3A_889 = arith.constant 1600 : i32
      %mul3A_890 = arith.muli %sub3A_888, %mul3A_889 : i32
      %add3A_891 = arith.addi %mul3A_2, %mul3A_890 : i32
      %dma_start3A_892 = arith.constant 0 : i32
      %dma_start3A_893 = arith.constant 0 : i32
      %dma_start3A_894 = arith.constant 0 : i32
      %dma_start3A_895 = tpu.memref_slice %arg6[%dma_start3A_892, %dma_start3A_893, %dma_start3A_894] : memref<2x1600x32xf32, #tpu.memory_space<vmem>> -> memref<1x1600x32xf32, #tpu.memory_space<vmem>>
      %dma_start3A_896 = tpu.memref_squeeze %dma_start3A_895 : memref<1x1600x32xf32, #tpu.memory_space<vmem>> -> memref<1600x32xf32, #tpu.memory_space<vmem>>
      %dma_start3A_897 = arith.constant 0 : i32
      %dma_start3A_898 = tpu.memref_slice %arg4[%add3A_891, %dma_start3A_897] : memref<3276800x32xf32, #tpu.memory_space<hbm>> -> memref<1600x32xf32, #tpu.memory_space<hbm>>
      %dma_start3A_899 = arith.constant 0 : i32
      %dma_start3A_900 = tpu.memref_slice %arg4[%add3A_891, %dma_start3A_899] : memref<3276800x32xf32, #tpu.memory_space<hbm>> -> memref<1600x32xf32, #tpu.memory_space<hbm>>
      %dma_start3A_901 = arith.constant 0 : i32
      %dma_start3A_902 = arith.constant 0 : i32
      %dma_start3A_903 = tpu.memref_slice %arg6[%dma_start3A_892, %dma_start3A_901, %dma_start3A_902] : memref<2x1600x32xf32, #tpu.memory_space<vmem>> -> memref<1x1600x32xf32, #tpu.memory_space<vmem>>
      %dma_start3A_904 = tpu.memref_squeeze %dma_start3A_903 : memref<1x1600x32xf32, #tpu.memory_space<vmem>> -> memref<1600x32xf32, #tpu.memory_space<vmem>>
      tpu.enqueue_dma source(%dma_start3A_904 : memref<1600x32xf32, #tpu.memory_space<vmem>>) target(%dma_start3A_900 : memref<1600x32xf32, #tpu.memory_space<hbm>>) target_semaphore(%arg13 : memref<!tpu.dma_semaphore, #tpu.memory_space<semaphore_mem>>)
      %add3A_905 = arith.constant 2 : i32
      %add3A_906 = arith.addi %add3A_839, %add3A_905 : i32
      %mul3A_907 = arith.constant 1600 : i32
      %mul3A_908 = arith.muli %add3A_906, %mul3A_907 : i32
      %add3A_909 = arith.addi %mul3A_2, %mul3A_908 : i32
      %dma_start3A_910 = arith.constant 1 : i32
      %dma_start3A_911 = arith.constant 0 : i32
      %dma_start3A_912 = tpu.memref_slice %arg5[%dma_start3A_910, %dma_start3A_911] : memref<4x1600xi32, #tpu.memory_space<vmem>> -> memref<1x1600xi32, #tpu.memory_space<vmem>>
      %dma_start3A_913 = tpu.memref_squeeze %dma_start3A_912 : memref<1x1600xi32, #tpu.memory_space<vmem>> -> memref<1600xi32, #tpu.memory_space<vmem>>
      %dma_start3A_914 = tpu.memref_slice %arg2[%add3A_909] : memref<3276800xi32, #tpu.memory_space<hbm>> -> memref<1600xi32, #tpu.memory_space<hbm>>
      %dma_start3A_915 = arith.constant 0 : i32
      %dma_start3A_916 = tpu.memref_slice %arg5[%dma_start3A_910, %dma_start3A_915] : memref<4x1600xi32, #tpu.memory_space<vmem>> -> memref<1x1600xi32, #tpu.memory_space<vmem>>
      %dma_start3A_917 = tpu.memref_squeeze %dma_start3A_916 : memref<1x1600xi32, #tpu.memory_space<vmem>> -> memref<1600xi32, #tpu.memory_space<vmem>>
      %dma_start3A_918 = tpu.memref_slice %arg2[%add3A_909] : memref<3276800xi32, #tpu.memory_space<hbm>> -> memref<1600xi32, #tpu.memory_space<hbm>>
      tpu.enqueue_dma source(%dma_start3A_918 : memref<1600xi32, #tpu.memory_space<hbm>>) target(%dma_start3A_917 : memref<1600xi32, #tpu.memory_space<vmem>>) target_semaphore(%arg8 : memref<!tpu.dma_semaphore, #tpu.memory_space<semaphore_mem>>)
    }
    %scan3A_264 = arith.constant 14 : i32
    %dma_wait3A_265 = arith.constant 0 : i32
    %dma_wait3A_266 = arith.constant 0 : i32
    %dma_wait3A_267 = tpu.memref_slice %arg5[%dma_wait3A_265, %dma_wait3A_266] : memref<4x1600xi32, #tpu.memory_space<vmem>> -> memref<1x1600xi32, #tpu.memory_space<vmem>>
    %dma_wait3A_268 = tpu.memref_squeeze %dma_wait3A_267 : memref<1x1600xi32, #tpu.memory_space<vmem>> -> memref<1600xi32, #tpu.memory_space<vmem>>
    %dma_wait3A_269 = tpu.memref_slice %arg2[%mul3A_2] : memref<3276800xi32, #tpu.memory_space<hbm>> -> memref<1600xi32, #tpu.memory_space<hbm>>
    %dma_wait3A_270 = arith.constant 0 : i32
    %dma_wait3A_271 = tpu.memref_slice %arg5[%dma_wait3A_265, %dma_wait3A_270] : memref<4x1600xi32, #tpu.memory_space<vmem>> -> memref<1x1600xi32, #tpu.memory_space<vmem>>
    %dma_wait3A_272 = tpu.memref_squeeze %dma_wait3A_271 : memref<1x1600xi32, #tpu.memory_space<vmem>> -> memref<1600xi32, #tpu.memory_space<vmem>>
    %dma_wait3A_273 = tpu.memref_slice %arg2[%mul3A_2] : memref<3276800xi32, #tpu.memory_space<hbm>> -> memref<1600xi32, #tpu.memory_space<hbm>>
    tpu.wait_dma2 semaphore(%arg7 : memref<!tpu.dma_semaphore, #tpu.memory_space<semaphore_mem>>) src(%dma_wait3A_273 : memref<1600xi32, #tpu.memory_space<hbm>>) dst(%dma_wait3A_272 : memref<1600xi32, #tpu.memory_space<vmem>>)
    %dma_wait3A_274 = arith.constant 0 : i32
    %dma_wait3A_275 = arith.constant 0 : i32
    %dma_wait3A_276 = arith.constant 0 : i32
    %dma_wait3A_277 = tpu.memref_slice %arg6[%dma_wait3A_274, %dma_wait3A_275, %dma_wait3A_276] : memref<2x1600x32xf32, #tpu.memory_space<vmem>> -> memref<1x1600x32xf32, #tpu.memory_space<vmem>>
    %dma_wait3A_278 = tpu.memref_squeeze %dma_wait3A_277 : memref<1x1600x32xf32, #tpu.memory_space<vmem>> -> memref<1600x32xf32, #tpu.memory_space<vmem>>
    %dma_wait3A_279 = arith.constant 0 : i32
    %dma_wait3A_280 = tpu.memref_slice %arg4[%mul3A_2, %dma_wait3A_279] : memref<3276800x32xf32, #tpu.memory_space<hbm>> -> memref<1600x32xf32, #tpu.memory_space<hbm>>
    %dma_wait3A_281 = arith.constant 0 : i32
    %dma_wait3A_282 = tpu.memref_slice %arg4[%mul3A_2, %dma_wait3A_281] : memref<3276800x32xf32, #tpu.memory_space<hbm>> -> memref<1600x32xf32, #tpu.memory_space<hbm>>
    %dma_wait3A_283 = arith.constant 0 : i32
    %dma_wait3A_284 = arith.constant 0 : i32
    %dma_wait3A_285 = tpu.memref_slice %arg6[%dma_wait3A_274, %dma_wait3A_283, %dma_wait3A_284] : memref<2x1600x32xf32, #tpu.memory_space<vmem>> -> memref<1x1600x32xf32, #tpu.memory_space<vmem>>
    %dma_wait3A_286 = tpu.memref_squeeze %dma_wait3A_285 : memref<1x1600x32xf32, #tpu.memory_space<vmem>> -> memref<1600x32xf32, #tpu.memory_space<vmem>>
    tpu.wait_dma2 semaphore(%arg13 : memref<!tpu.dma_semaphore, #tpu.memory_space<semaphore_mem>>) src(%dma_wait3A_286 : memref<1600x32xf32, #tpu.memory_space<vmem>>) dst(%dma_wait3A_282 : memref<1600x32xf32, #tpu.memory_space<hbm>>)
    %dma_start3A_287 = arith.constant 0 : i32
    %dma_start3A_288 = arith.constant 0 : i32
    %dma_start3A_289 = arith.constant 0 : i32
    %dma_start3A_290 = arith.constant 0 : i32
    %dma_start3A_291 = tpu.memref_slice %arg6[%dma_start3A_288, %dma_start3A_289, %dma_start3A_290] : memref<2x1600x32xf32, #tpu.memory_space<vmem>> -> memref<1x1600x32xf32, #tpu.memory_space<vmem>>
    %dma_start3A_292 = tpu.memref_squeeze %dma_start3A_291 : memref<1x1600x32xf32, #tpu.memory_space<vmem>> -> memref<1600x32xf32, #tpu.memory_space<vmem>>
    %dma_start3A_293 = arith.constant 0 : i32
    %dma_start3A_294 = tpu.memref_slice %arg5[%dma_start3A_287, %dma_start3A_293] : memref<4x1600xi32, #tpu.memory_space<vmem>> -> memref<1x1600xi32, #tpu.memory_space<vmem>>
    %dma_start3A_295 = tpu.memref_squeeze %dma_start3A_294 : memref<1x1600xi32, #tpu.memory_space<vmem>> -> memref<1600xi32, #tpu.memory_space<vmem>>
    %dma_start3A_296 = arith.constant 0 : i32
    %dma_start3A_297 = arith.constant 0 : i32
    %dma_start3A_298 = tpu.memref_slice %arg3[%dma_start3A_296, %dma_start3A_297] : memref<1000000x32xf32, #tpu.memory_space<hbm>> -> memref<1000000x32xf32, #tpu.memory_space<hbm>>
    tpu.enqueue_indirect_dma source(%dma_start3A_298 : memref<1000000x32xf32, #tpu.memory_space<hbm>>) target(%dma_start3A_292 : memref<1600x32xf32, #tpu.memory_space<vmem>>) offsets(%dma_start3A_295 : memref<1600xi32, #tpu.memory_space<vmem>>) semaphore(%arg11 : memref<!tpu.dma_semaphore, #tpu.memory_space<semaphore_mem>>)
    %dma_wait3A_299 = arith.constant 1 : i32
    %dma_wait3A_300 = arith.constant 0 : i32
    %dma_wait3A_301 = arith.constant 0 : i32
    %dma_wait3A_302 = tpu.memref_slice %arg6[%dma_wait3A_299, %dma_wait3A_300, %dma_wait3A_301] : memref<2x1600x32xf32, #tpu.memory_space<vmem>> -> memref<1x1600x32xf32, #tpu.memory_space<vmem>>
    %dma_wait3A_303 = tpu.memref_squeeze %dma_wait3A_302 : memref<1x1600x32xf32, #tpu.memory_space<vmem>> -> memref<1600x32xf32, #tpu.memory_space<vmem>>
    %dma_wait3A_304 = arith.constant 0 : i32
    %dma_wait3A_305 = tpu.memref_slice %arg4[%mul3A_2, %dma_wait3A_304] : memref<3276800x32xf32, #tpu.memory_space<hbm>> -> memref<1600x32xf32, #tpu.memory_space<hbm>>
    %dma_wait3A_306 = arith.constant 0 : i32
    %dma_wait3A_307 = arith.constant 0 : i32
    %dma_wait3A_308 = tpu.memref_slice %arg6[%dma_wait3A_299, %dma_wait3A_306, %dma_wait3A_307] : memref<2x1600x32xf32, #tpu.memory_space<vmem>> -> memref<1x1600x32xf32, #tpu.memory_space<vmem>>
    %dma_wait3A_309 = tpu.memref_squeeze %dma_wait3A_308 : memref<1x1600x32xf32, #tpu.memory_space<vmem>> -> memref<1600x32xf32, #tpu.memory_space<vmem>>
    %dma_wait3A_310 = arith.constant 0 : i32
    %dma_wait3A_311 = tpu.memref_slice %arg4[%mul3A_2, %dma_wait3A_310] : memref<3276800x32xf32, #tpu.memory_space<hbm>> -> memref<1600x32xf32, #tpu.memory_space<hbm>>
    tpu.wait_dma2 semaphore(%arg12 : memref<!tpu.dma_semaphore, #tpu.memory_space<semaphore_mem>>) src(%dma_wait3A_311 : memref<1600x32xf32, #tpu.memory_space<hbm>>) dst(%dma_wait3A_309 : memref<1600x32xf32, #tpu.memory_space<vmem>>)
    %add3A_312 = arith.constant 94400 : i32
    %add3A_313 = arith.addi %mul3A_2, %add3A_312 : i32
    %dma_start3A_314 = arith.constant 1 : i32
    %dma_start3A_315 = arith.constant 0 : i32
    %dma_start3A_316 = arith.constant 0 : i32
    %dma_start3A_317 = tpu.memref_slice %arg6[%dma_start3A_314, %dma_start3A_315, %dma_start3A_316] : memref<2x1600x32xf32, #tpu.memory_space<vmem>> -> memref<1x1600x32xf32, #tpu.memory_space<vmem>>
    %dma_start3A_318 = tpu.memref_squeeze %dma_start3A_317 : memref<1x1600x32xf32, #tpu.memory_space<vmem>> -> memref<1600x32xf32, #tpu.memory_space<vmem>>
    %dma_start3A_319 = arith.constant 0 : i32
    %dma_start3A_320 = tpu.memref_slice %arg4[%add3A_313, %dma_start3A_319] : memref<3276800x32xf32, #tpu.memory_space<hbm>> -> memref<1600x32xf32, #tpu.memory_space<hbm>>
    %dma_start3A_321 = arith.constant 0 : i32
    %dma_start3A_322 = tpu.memref_slice %arg4[%add3A_313, %dma_start3A_321] : memref<3276800x32xf32, #tpu.memory_space<hbm>> -> memref<1600x32xf32, #tpu.memory_space<hbm>>
    %dma_start3A_323 = arith.constant 0 : i32
    %dma_start3A_324 = arith.constant 0 : i32
    %dma_start3A_325 = tpu.memref_slice %arg6[%dma_start3A_314, %dma_start3A_323, %dma_start3A_324] : memref<2x1600x32xf32, #tpu.memory_space<vmem>> -> memref<1x1600x32xf32, #tpu.memory_space<vmem>>
    %dma_start3A_326 = tpu.memref_squeeze %dma_start3A_325 : memref<1x1600x32xf32, #tpu.memory_space<vmem>> -> memref<1600x32xf32, #tpu.memory_space<vmem>>
    tpu.enqueue_dma source(%dma_start3A_326 : memref<1600x32xf32, #tpu.memory_space<vmem>>) target(%dma_start3A_322 : memref<1600x32xf32, #tpu.memory_space<hbm>>) target_semaphore(%arg14 : memref<!tpu.dma_semaphore, #tpu.memory_space<semaphore_mem>>)
    %add3A_327 = arith.constant 99200 : i32
    %add3A_328 = arith.addi %mul3A_2, %add3A_327 : i32
    %dma_start3A_329 = arith.constant 2 : i32
    %dma_start3A_330 = arith.constant 0 : i32
    %dma_start3A_331 = tpu.memref_slice %arg5[%dma_start3A_329, %dma_start3A_330] : memref<4x1600xi32, #tpu.memory_space<vmem>> -> memref<1x1600xi32, #tpu.memory_space<vmem>>
    %dma_start3A_332 = tpu.memref_squeeze %dma_start3A_331 : memref<1x1600xi32, #tpu.memory_space<vmem>> -> memref<1600xi32, #tpu.memory_space<vmem>>
    %dma_start3A_333 = tpu.memref_slice %arg2[%add3A_328] : memref<3276800xi32, #tpu.memory_space<hbm>> -> memref<1600xi32, #tpu.memory_space<hbm>>
    %dma_start3A_334 = arith.constant 0 : i32
    %dma_start3A_335 = tpu.memref_slice %arg5[%dma_start3A_329, %dma_start3A_334] : memref<4x1600xi32, #tpu.memory_space<vmem>> -> memref<1x1600xi32, #tpu.memory_space<vmem>>
    %dma_start3A_336 = tpu.memref_squeeze %dma_start3A_335 : memref<1x1600xi32, #tpu.memory_space<vmem>> -> memref<1600xi32, #tpu.memory_space<vmem>>
    %dma_start3A_337 = tpu.memref_slice %arg2[%add3A_328] : memref<3276800xi32, #tpu.memory_space<hbm>> -> memref<1600xi32, #tpu.memory_space<hbm>>
    tpu.enqueue_dma source(%dma_start3A_337 : memref<1600xi32, #tpu.memory_space<hbm>>) target(%dma_start3A_336 : memref<1600xi32, #tpu.memory_space<vmem>>) target_semaphore(%arg9 : memref<!tpu.dma_semaphore, #tpu.memory_space<semaphore_mem>>)
    %dma_wait3A_338 = arith.constant 1 : i32
    %dma_wait3A_339 = arith.constant 0 : i32
    %dma_wait3A_340 = tpu.memref_slice %arg5[%dma_wait3A_338, %dma_wait3A_339] : memref<4x1600xi32, #tpu.memory_space<vmem>> -> memref<1x1600xi32, #tpu.memory_space<vmem>>
    %dma_wait3A_341 = tpu.memref_squeeze %dma_wait3A_340 : memref<1x1600xi32, #tpu.memory_space<vmem>> -> memref<1600xi32, #tpu.memory_space<vmem>>
    %dma_wait3A_342 = tpu.memref_slice %arg2[%mul3A_2] : memref<3276800xi32, #tpu.memory_space<hbm>> -> memref<1600xi32, #tpu.memory_space<hbm>>
    %dma_wait3A_343 = arith.constant 0 : i32
    %dma_wait3A_344 = tpu.memref_slice %arg5[%dma_wait3A_338, %dma_wait3A_343] : memref<4x1600xi32, #tpu.memory_space<vmem>> -> memref<1x1600xi32, #tpu.memory_space<vmem>>
    %dma_wait3A_345 = tpu.memref_squeeze %dma_wait3A_344 : memref<1x1600xi32, #tpu.memory_space<vmem>> -> memref<1600xi32, #tpu.memory_space<vmem>>
    %dma_wait3A_346 = tpu.memref_slice %arg2[%mul3A_2] : memref<3276800xi32, #tpu.memory_space<hbm>> -> memref<1600xi32, #tpu.memory_space<hbm>>
    tpu.wait_dma2 semaphore(%arg8 : memref<!tpu.dma_semaphore, #tpu.memory_space<semaphore_mem>>) src(%dma_wait3A_346 : memref<1600xi32, #tpu.memory_space<hbm>>) dst(%dma_wait3A_345 : memref<1600xi32, #tpu.memory_space<vmem>>)
    %dma_wait3A_347 = arith.constant 1 : i32
    %dma_wait3A_348 = arith.constant 0 : i32
    %dma_wait3A_349 = arith.constant 0 : i32
    %dma_wait3A_350 = tpu.memref_slice %arg6[%dma_wait3A_347, %dma_wait3A_348, %dma_wait3A_349] : memref<2x1600x32xf32, #tpu.memory_space<vmem>> -> memref<1x1600x32xf32, #tpu.memory_space<vmem>>
    %dma_wait3A_351 = tpu.memref_squeeze %dma_wait3A_350 : memref<1x1600x32xf32, #tpu.memory_space<vmem>> -> memref<1600x32xf32, #tpu.memory_space<vmem>>
    %dma_wait3A_352 = arith.constant 0 : i32
    %dma_wait3A_353 = tpu.memref_slice %arg4[%mul3A_2, %dma_wait3A_352] : memref<3276800x32xf32, #tpu.memory_space<hbm>> -> memref<1600x32xf32, #tpu.memory_space<hbm>>
    %dma_wait3A_354 = arith.constant 0 : i32
    %dma_wait3A_355 = tpu.memref_slice %arg4[%mul3A_2, %dma_wait3A_354] : memref<3276800x32xf32, #tpu.memory_space<hbm>> -> memref<1600x32xf32, #tpu.memory_space<hbm>>
    %dma_wait3A_356 = arith.constant 0 : i32
    %dma_wait3A_357 = arith.constant 0 : i32
    %dma_wait3A_358 = tpu.memref_slice %arg6[%dma_wait3A_347, %dma_wait3A_356, %dma_wait3A_357] : memref<2x1600x32xf32, #tpu.memory_space<vmem>> -> memref<1x1600x32xf32, #tpu.memory_space<vmem>>
    %dma_wait3A_359 = tpu.memref_squeeze %dma_wait3A_358 : memref<1x1600x32xf32, #tpu.memory_space<vmem>> -> memref<1600x32xf32, #tpu.memory_space<vmem>>
    tpu.wait_dma2 semaphore(%arg14 : memref<!tpu.dma_semaphore, #tpu.memory_space<semaphore_mem>>) src(%dma_wait3A_359 : memref<1600x32xf32, #tpu.memory_space<vmem>>) dst(%dma_wait3A_355 : memref<1600x32xf32, #tpu.memory_space<hbm>>)
    %dma_start3A_360 = arith.constant 1 : i32
    %dma_start3A_361 = arith.constant 1 : i32
    %dma_start3A_362 = arith.constant 0 : i32
    %dma_start3A_363 = arith.constant 0 : i32
    %dma_start3A_364 = tpu.memref_slice %arg6[%dma_start3A_361, %dma_start3A_362, %dma_start3A_363] : memref<2x1600x32xf32, #tpu.memory_space<vmem>> -> memref<1x1600x32xf32, #tpu.memory_space<vmem>>
    %dma_start3A_365 = tpu.memref_squeeze %dma_start3A_364 : memref<1x1600x32xf32, #tpu.memory_space<vmem>> -> memref<1600x32xf32, #tpu.memory_space<vmem>>
    %dma_start3A_366 = arith.constant 0 : i32
    %dma_start3A_367 = tpu.memref_slice %arg5[%dma_start3A_360, %dma_start3A_366] : memref<4x1600xi32, #tpu.memory_space<vmem>> -> memref<1x1600xi32, #tpu.memory_space<vmem>>
    %dma_start3A_368 = tpu.memref_squeeze %dma_start3A_367 : memref<1x1600xi32, #tpu.memory_space<vmem>> -> memref<1600xi32, #tpu.memory_space<vmem>>
    %dma_start3A_369 = arith.constant 0 : i32
    %dma_start3A_370 = arith.constant 0 : i32
    %dma_start3A_371 = tpu.memref_slice %arg3[%dma_start3A_369, %dma_start3A_370] : memref<1000000x32xf32, #tpu.memory_space<hbm>> -> memref<1000000x32xf32, #tpu.memory_space<hbm>>
    tpu.enqueue_indirect_dma source(%dma_start3A_371 : memref<1000000x32xf32, #tpu.memory_space<hbm>>) target(%dma_start3A_365 : memref<1600x32xf32, #tpu.memory_space<vmem>>) offsets(%dma_start3A_368 : memref<1600xi32, #tpu.memory_space<vmem>>) semaphore(%arg12 : memref<!tpu.dma_semaphore, #tpu.memory_space<semaphore_mem>>)
    %dma_wait3A_372 = arith.constant 0 : i32
    %dma_wait3A_373 = arith.constant 0 : i32
    %dma_wait3A_374 = arith.constant 0 : i32
    %dma_wait3A_375 = tpu.memref_slice %arg6[%dma_wait3A_372, %dma_wait3A_373, %dma_wait3A_374] : memref<2x1600x32xf32, #tpu.memory_space<vmem>> -> memref<1x1600x32xf32, #tpu.memory_space<vmem>>
    %dma_wait3A_376 = tpu.memref_squeeze %dma_wait3A_375 : memref<1x1600x32xf32, #tpu.memory_space<vmem>> -> memref<1600x32xf32, #tpu.memory_space<vmem>>
    %dma_wait3A_377 = arith.constant 0 : i32
    %dma_wait3A_378 = tpu.memref_slice %arg4[%mul3A_2, %dma_wait3A_377] : memref<3276800x32xf32, #tpu.memory_space<hbm>> -> memref<1600x32xf32, #tpu.memory_space<hbm>>
    %dma_wait3A_379 = arith.constant 0 : i32
    %dma_wait3A_380 = arith.constant 0 : i32
    %dma_wait3A_381 = tpu.memref_slice %arg6[%dma_wait3A_372, %dma_wait3A_379, %dma_wait3A_380] : memref<2x1600x32xf32, #tpu.memory_space<vmem>> -> memref<1x1600x32xf32, #tpu.memory_space<vmem>>
    %dma_wait3A_382 = tpu.memref_squeeze %dma_wait3A_381 : memref<1x1600x32xf32, #tpu.memory_space<vmem>> -> memref<1600x32xf32, #tpu.memory_space<vmem>>
    %dma_wait3A_383 = arith.constant 0 : i32
    %dma_wait3A_384 = tpu.memref_slice %arg4[%mul3A_2, %dma_wait3A_383] : memref<3276800x32xf32, #tpu.memory_space<hbm>> -> memref<1600x32xf32, #tpu.memory_space<hbm>>
    tpu.wait_dma2 semaphore(%arg11 : memref<!tpu.dma_semaphore, #tpu.memory_space<semaphore_mem>>) src(%dma_wait3A_384 : memref<1600x32xf32, #tpu.memory_space<hbm>>) dst(%dma_wait3A_382 : memref<1600x32xf32, #tpu.memory_space<vmem>>)
    %add3A_385 = arith.constant 96000 : i32
    %add3A_386 = arith.addi %mul3A_2, %add3A_385 : i32
    %dma_start3A_387 = arith.constant 0 : i32
    %dma_start3A_388 = arith.constant 0 : i32
    %dma_start3A_389 = arith.constant 0 : i32
    %dma_start3A_390 = tpu.memref_slice %arg6[%dma_start3A_387, %dma_start3A_388, %dma_start3A_389] : memref<2x1600x32xf32, #tpu.memory_space<vmem>> -> memref<1x1600x32xf32, #tpu.memory_space<vmem>>
    %dma_start3A_391 = tpu.memref_squeeze %dma_start3A_390 : memref<1x1600x32xf32, #tpu.memory_space<vmem>> -> memref<1600x32xf32, #tpu.memory_space<vmem>>
    %dma_start3A_392 = arith.constant 0 : i32
    %dma_start3A_393 = tpu.memref_slice %arg4[%add3A_386, %dma_start3A_392] : memref<3276800x32xf32, #tpu.memory_space<hbm>> -> memref<1600x32xf32, #tpu.memory_space<hbm>>
    %dma_start3A_394 = arith.constant 0 : i32
    %dma_start3A_395 = tpu.memref_slice %arg4[%add3A_386, %dma_start3A_394] : memref<3276800x32xf32, #tpu.memory_space<hbm>> -> memref<1600x32xf32, #tpu.memory_space<hbm>>
    %dma_start3A_396 = arith.constant 0 : i32
    %dma_start3A_397 = arith.constant 0 : i32
    %dma_start3A_398 = tpu.memref_slice %arg6[%dma_start3A_387, %dma_start3A_396, %dma_start3A_397] : memref<2x1600x32xf32, #tpu.memory_space<vmem>> -> memref<1x1600x32xf32, #tpu.memory_space<vmem>>
    %dma_start3A_399 = tpu.memref_squeeze %dma_start3A_398 : memref<1x1600x32xf32, #tpu.memory_space<vmem>> -> memref<1600x32xf32, #tpu.memory_space<vmem>>
    tpu.enqueue_dma source(%dma_start3A_399 : memref<1600x32xf32, #tpu.memory_space<vmem>>) target(%dma_start3A_395 : memref<1600x32xf32, #tpu.memory_space<hbm>>) target_semaphore(%arg13 : memref<!tpu.dma_semaphore, #tpu.memory_space<semaphore_mem>>)
    %add3A_400 = arith.constant 100800 : i32
    %add3A_401 = arith.addi %mul3A_2, %add3A_400 : i32
    %dma_start3A_402 = arith.constant 3 : i32
    %dma_start3A_403 = arith.constant 0 : i32
    %dma_start3A_404 = tpu.memref_slice %arg5[%dma_start3A_402, %dma_start3A_403] : memref<4x1600xi32, #tpu.memory_space<vmem>> -> memref<1x1600xi32, #tpu.memory_space<vmem>>
    %dma_start3A_405 = tpu.memref_squeeze %dma_start3A_404 : memref<1x1600xi32, #tpu.memory_space<vmem>> -> memref<1600xi32, #tpu.memory_space<vmem>>
    %dma_start3A_406 = tpu.memref_slice %arg2[%add3A_401] : memref<3276800xi32, #tpu.memory_space<hbm>> -> memref<1600xi32, #tpu.memory_space<hbm>>
    %dma_start3A_407 = arith.constant 0 : i32
    %dma_start3A_408 = tpu.memref_slice %arg5[%dma_start3A_402, %dma_start3A_407] : memref<4x1600xi32, #tpu.memory_space<vmem>> -> memref<1x1600xi32, #tpu.memory_space<vmem>>
    %dma_start3A_409 = tpu.memref_squeeze %dma_start3A_408 : memref<1x1600xi32, #tpu.memory_space<vmem>> -> memref<1600xi32, #tpu.memory_space<vmem>>
    %dma_start3A_410 = tpu.memref_slice %arg2[%add3A_401] : memref<3276800xi32, #tpu.memory_space<hbm>> -> memref<1600xi32, #tpu.memory_space<hbm>>
    tpu.enqueue_dma source(%dma_start3A_410 : memref<1600xi32, #tpu.memory_space<hbm>>) target(%dma_start3A_409 : memref<1600xi32, #tpu.memory_space<vmem>>) target_semaphore(%arg10 : memref<!tpu.dma_semaphore, #tpu.memory_space<semaphore_mem>>)
    %dma_wait3A_411 = arith.constant 2 : i32
    %dma_wait3A_412 = arith.constant 0 : i32
    %dma_wait3A_413 = tpu.memref_slice %arg5[%dma_wait3A_411, %dma_wait3A_412] : memref<4x1600xi32, #tpu.memory_space<vmem>> -> memref<1x1600xi32, #tpu.memory_space<vmem>>
    %dma_wait3A_414 = tpu.memref_squeeze %dma_wait3A_413 : memref<1x1600xi32, #tpu.memory_space<vmem>> -> memref<1600xi32, #tpu.memory_space<vmem>>
    %dma_wait3A_415 = tpu.memref_slice %arg2[%mul3A_2] : memref<3276800xi32, #tpu.memory_space<hbm>> -> memref<1600xi32, #tpu.memory_space<hbm>>
    %dma_wait3A_416 = arith.constant 0 : i32
    %dma_wait3A_417 = tpu.memref_slice %arg5[%dma_wait3A_411, %dma_wait3A_416] : memref<4x1600xi32, #tpu.memory_space<vmem>> -> memref<1x1600xi32, #tpu.memory_space<vmem>>
    %dma_wait3A_418 = tpu.memref_squeeze %dma_wait3A_417 : memref<1x1600xi32, #tpu.memory_space<vmem>> -> memref<1600xi32, #tpu.memory_space<vmem>>
    %dma_wait3A_419 = tpu.memref_slice %arg2[%mul3A_2] : memref<3276800xi32, #tpu.memory_space<hbm>> -> memref<1600xi32, #tpu.memory_space<hbm>>
    tpu.wait_dma2 semaphore(%arg9 : memref<!tpu.dma_semaphore, #tpu.memory_space<semaphore_mem>>) src(%dma_wait3A_419 : memref<1600xi32, #tpu.memory_space<hbm>>) dst(%dma_wait3A_418 : memref<1600xi32, #tpu.memory_space<vmem>>)
    %dma_wait3A_420 = arith.constant 0 : i32
    %dma_wait3A_421 = arith.constant 0 : i32
    %dma_wait3A_422 = arith.constant 0 : i32
    %dma_wait3A_423 = tpu.memref_slice %arg6[%dma_wait3A_420, %dma_wait3A_421, %dma_wait3A_422] : memref<2x1600x32xf32, #tpu.memory_space<vmem>> -> memref<1x1600x32xf32, #tpu.memory_space<vmem>>
    %dma_wait3A_424 = tpu.memref_squeeze %dma_wait3A_423 : memref<1x1600x32xf32, #tpu.memory_space<vmem>> -> memref<1600x32xf32, #tpu.memory_space<vmem>>
    %dma_wait3A_425 = arith.constant 0 : i32
    %dma_wait3A_426 = tpu.memref_slice %arg4[%mul3A_2, %dma_wait3A_425] : memref<3276800x32xf32, #tpu.memory_space<hbm>> -> memref<1600x32xf32, #tpu.memory_space<hbm>>
    %dma_wait3A_427 = arith.constant 0 : i32
    %dma_wait3A_428 = tpu.memref_slice %arg4[%mul3A_2, %dma_wait3A_427] : memref<3276800x32xf32, #tpu.memory_space<hbm>> -> memref<1600x32xf32, #tpu.memory_space<hbm>>
    %dma_wait3A_429 = arith.constant 0 : i32
    %dma_wait3A_430 = arith.constant 0 : i32
    %dma_wait3A_431 = tpu.memref_slice %arg6[%dma_wait3A_420, %dma_wait3A_429, %dma_wait3A_430] : memref<2x1600x32xf32, #tpu.memory_space<vmem>> -> memref<1x1600x32xf32, #tpu.memory_space<vmem>>
    %dma_wait3A_432 = tpu.memref_squeeze %dma_wait3A_431 : memref<1x1600x32xf32, #tpu.memory_space<vmem>> -> memref<1600x32xf32, #tpu.memory_space<vmem>>
    tpu.wait_dma2 semaphore(%arg13 : memref<!tpu.dma_semaphore, #tpu.memory_space<semaphore_mem>>) src(%dma_wait3A_432 : memref<1600x32xf32, #tpu.memory_space<vmem>>) dst(%dma_wait3A_428 : memref<1600x32xf32, #tpu.memory_space<hbm>>)
    %dma_start3A_433 = arith.constant 2 : i32
    %dma_start3A_434 = arith.constant 0 : i32
    %dma_start3A_435 = arith.constant 0 : i32
    %dma_start3A_436 = arith.constant 0 : i32
    %dma_start3A_437 = tpu.memref_slice %arg6[%dma_start3A_434, %dma_start3A_435, %dma_start3A_436] : memref<2x1600x32xf32, #tpu.memory_space<vmem>> -> memref<1x1600x32xf32, #tpu.memory_space<vmem>>
    %dma_start3A_438 = tpu.memref_squeeze %dma_start3A_437 : memref<1x1600x32xf32, #tpu.memory_space<vmem>> -> memref<1600x32xf32, #tpu.memory_space<vmem>>
    %dma_start3A_439 = arith.constant 0 : i32
    %dma_start3A_440 = tpu.memref_slice %arg5[%dma_start3A_433, %dma_start3A_439] : memref<4x1600xi32, #tpu.memory_space<vmem>> -> memref<1x1600xi32, #tpu.memory_space<vmem>>
    %dma_start3A_441 = tpu.memref_squeeze %dma_start3A_440 : memref<1x1600xi32, #tpu.memory_space<vmem>> -> memref<1600xi32, #tpu.memory_space<vmem>>
    %dma_start3A_442 = arith.constant 0 : i32
    %dma_start3A_443 = arith.constant 0 : i32
    %dma_start3A_444 = tpu.memref_slice %arg3[%dma_start3A_442, %dma_start3A_443] : memref<1000000x32xf32, #tpu.memory_space<hbm>> -> memref<1000000x32xf32, #tpu.memory_space<hbm>>
    tpu.enqueue_indirect_dma source(%dma_start3A_444 : memref<1000000x32xf32, #tpu.memory_space<hbm>>) target(%dma_start3A_438 : memref<1600x32xf32, #tpu.memory_space<vmem>>) offsets(%dma_start3A_441 : memref<1600xi32, #tpu.memory_space<vmem>>) semaphore(%arg11 : memref<!tpu.dma_semaphore, #tpu.memory_space<semaphore_mem>>)
    %dma_wait3A_445 = arith.constant 1 : i32
    %dma_wait3A_446 = arith.constant 0 : i32
    %dma_wait3A_447 = arith.constant 0 : i32
    %dma_wait3A_448 = tpu.memref_slice %arg6[%dma_wait3A_445, %dma_wait3A_446, %dma_wait3A_447] : memref<2x1600x32xf32, #tpu.memory_space<vmem>> -> memref<1x1600x32xf32, #tpu.memory_space<vmem>>
    %dma_wait3A_449 = tpu.memref_squeeze %dma_wait3A_448 : memref<1x1600x32xf32, #tpu.memory_space<vmem>> -> memref<1600x32xf32, #tpu.memory_space<vmem>>
    %dma_wait3A_450 = arith.constant 0 : i32
    %dma_wait3A_451 = tpu.memref_slice %arg4[%mul3A_2, %dma_wait3A_450] : memref<3276800x32xf32, #tpu.memory_space<hbm>> -> memref<1600x32xf32, #tpu.memory_space<hbm>>
    %dma_wait3A_452 = arith.constant 0 : i32
    %dma_wait3A_453 = arith.constant 0 : i32
    %dma_wait3A_454 = tpu.memref_slice %arg6[%dma_wait3A_445, %dma_wait3A_452, %dma_wait3A_453] : memref<2x1600x32xf32, #tpu.memory_space<vmem>> -> memref<1x1600x32xf32, #tpu.memory_space<vmem>>
    %dma_wait3A_455 = tpu.memref_squeeze %dma_wait3A_454 : memref<1x1600x32xf32, #tpu.memory_space<vmem>> -> memref<1600x32xf32, #tpu.memory_space<vmem>>
    %dma_wait3A_456 = arith.constant 0 : i32
    %dma_wait3A_457 = tpu.memref_slice %arg4[%mul3A_2, %dma_wait3A_456] : memref<3276800x32xf32, #tpu.memory_space<hbm>> -> memref<1600x32xf32, #tpu.memory_space<hbm>>
    tpu.wait_dma2 semaphore(%arg12 : memref<!tpu.dma_semaphore, #tpu.memory_space<semaphore_mem>>) src(%dma_wait3A_457 : memref<1600x32xf32, #tpu.memory_space<hbm>>) dst(%dma_wait3A_455 : memref<1600x32xf32, #tpu.memory_space<vmem>>)
    %add3A_458 = arith.constant 97600 : i32
    %add3A_459 = arith.addi %mul3A_2, %add3A_458 : i32
    %dma_start3A_460 = arith.constant 1 : i32
    %dma_start3A_461 = arith.constant 0 : i32
    %dma_start3A_462 = arith.constant 0 : i32
    %dma_start3A_463 = tpu.memref_slice %arg6[%dma_start3A_460, %dma_start3A_461, %dma_start3A_462] : memref<2x1600x32xf32, #tpu.memory_space<vmem>> -> memref<1x1600x32xf32, #tpu.memory_space<vmem>>
    %dma_start3A_464 = tpu.memref_squeeze %dma_start3A_463 : memref<1x1600x32xf32, #tpu.memory_space<vmem>> -> memref<1600x32xf32, #tpu.memory_space<vmem>>
    %dma_start3A_465 = arith.constant 0 : i32
    %dma_start3A_466 = tpu.memref_slice %arg4[%add3A_459, %dma_start3A_465] : memref<3276800x32xf32, #tpu.memory_space<hbm>> -> memref<1600x32xf32, #tpu.memory_space<hbm>>
    %dma_start3A_467 = arith.constant 0 : i32
    %dma_start3A_468 = tpu.memref_slice %arg4[%add3A_459, %dma_start3A_467] : memref<3276800x32xf32, #tpu.memory_space<hbm>> -> memref<1600x32xf32, #tpu.memory_space<hbm>>
    %dma_start3A_469 = arith.constant 0 : i32
    %dma_start3A_470 = arith.constant 0 : i32
    %dma_start3A_471 = tpu.memref_slice %arg6[%dma_start3A_460, %dma_start3A_469, %dma_start3A_470] : memref<2x1600x32xf32, #tpu.memory_space<vmem>> -> memref<1x1600x32xf32, #tpu.memory_space<vmem>>
    %dma_start3A_472 = tpu.memref_squeeze %dma_start3A_471 : memref<1x1600x32xf32, #tpu.memory_space<vmem>> -> memref<1600x32xf32, #tpu.memory_space<vmem>>
    tpu.enqueue_dma source(%dma_start3A_472 : memref<1600x32xf32, #tpu.memory_space<vmem>>) target(%dma_start3A_468 : memref<1600x32xf32, #tpu.memory_space<hbm>>) target_semaphore(%arg14 : memref<!tpu.dma_semaphore, #tpu.memory_space<semaphore_mem>>)
    %dma_wait3A_473 = arith.constant 3 : i32
    %dma_wait3A_474 = arith.constant 0 : i32
    %dma_wait3A_475 = tpu.memref_slice %arg5[%dma_wait3A_473, %dma_wait3A_474] : memref<4x1600xi32, #tpu.memory_space<vmem>> -> memref<1x1600xi32, #tpu.memory_space<vmem>>
    %dma_wait3A_476 = tpu.memref_squeeze %dma_wait3A_475 : memref<1x1600xi32, #tpu.memory_space<vmem>> -> memref<1600xi32, #tpu.memory_space<vmem>>
    %dma_wait3A_477 = tpu.memref_slice %arg2[%mul3A_2] : memref<3276800xi32, #tpu.memory_space<hbm>> -> memref<1600xi32, #tpu.memory_space<hbm>>
    %dma_wait3A_478 = arith.constant 0 : i32
    %dma_wait3A_479 = tpu.memref_slice %arg5[%dma_wait3A_473, %dma_wait3A_478] : memref<4x1600xi32, #tpu.memory_space<vmem>> -> memref<1x1600xi32, #tpu.memory_space<vmem>>
    %dma_wait3A_480 = tpu.memref_squeeze %dma_wait3A_479 : memref<1x1600xi32, #tpu.memory_space<vmem>> -> memref<1600xi32, #tpu.memory_space<vmem>>
    %dma_wait3A_481 = tpu.memref_slice %arg2[%mul3A_2] : memref<3276800xi32, #tpu.memory_space<hbm>> -> memref<1600xi32, #tpu.memory_space<hbm>>
    tpu.wait_dma2 semaphore(%arg10 : memref<!tpu.dma_semaphore, #tpu.memory_space<semaphore_mem>>) src(%dma_wait3A_481 : memref<1600xi32, #tpu.memory_space<hbm>>) dst(%dma_wait3A_480 : memref<1600xi32, #tpu.memory_space<vmem>>)
    %dma_wait3A_482 = arith.constant 1 : i32
    %dma_wait3A_483 = arith.constant 0 : i32
    %dma_wait3A_484 = arith.constant 0 : i32
    %dma_wait3A_485 = tpu.memref_slice %arg6[%dma_wait3A_482, %dma_wait3A_483, %dma_wait3A_484] : memref<2x1600x32xf32, #tpu.memory_space<vmem>> -> memref<1x1600x32xf32, #tpu.memory_space<vmem>>
    %dma_wait3A_486 = tpu.memref_squeeze %dma_wait3A_485 : memref<1x1600x32xf32, #tpu.memory_space<vmem>> -> memref<1600x32xf32, #tpu.memory_space<vmem>>
    %dma_wait3A_487 = arith.constant 0 : i32
    %dma_wait3A_488 = tpu.memref_slice %arg4[%mul3A_2, %dma_wait3A_487] : memref<3276800x32xf32, #tpu.memory_space<hbm>> -> memref<1600x32xf32, #tpu.memory_space<hbm>>
    %dma_wait3A_489 = arith.constant 0 : i32
    %dma_wait3A_490 = tpu.memref_slice %arg4[%mul3A_2, %dma_wait3A_489] : memref<3276800x32xf32, #tpu.memory_space<hbm>> -> memref<1600x32xf32, #tpu.memory_space<hbm>>
    %dma_wait3A_491 = arith.constant 0 : i32
    %dma_wait3A_492 = arith.constant 0 : i32
    %dma_wait3A_493 = tpu.memref_slice %arg6[%dma_wait3A_482, %dma_wait3A_491, %dma_wait3A_492] : memref<2x1600x32xf32, #tpu.memory_space<vmem>> -> memref<1x1600x32xf32, #tpu.memory_space<vmem>>
    %dma_wait3A_494 = tpu.memref_squeeze %dma_wait3A_493 : memref<1x1600x32xf32, #tpu.memory_space<vmem>> -> memref<1600x32xf32, #tpu.memory_space<vmem>>
    tpu.wait_dma2 semaphore(%arg14 : memref<!tpu.dma_semaphore, #tpu.memory_space<semaphore_mem>>) src(%dma_wait3A_494 : memref<1600x32xf32, #tpu.memory_space<vmem>>) dst(%dma_wait3A_490 : memref<1600x32xf32, #tpu.memory_space<hbm>>)
    %dma_start3A_495 = arith.constant 3 : i32
    %dma_start3A_496 = arith.constant 1 : i32
    %dma_start3A_497 = arith.constant 0 : i32
    %dma_start3A_498 = arith.constant 0 : i32
    %dma_start3A_499 = tpu.memref_slice %arg6[%dma_start3A_496, %dma_start3A_497, %dma_start3A_498] : memref<2x1600x32xf32, #tpu.memory_space<vmem>> -> memref<1x1600x32xf32, #tpu.memory_space<vmem>>
    %dma_start3A_500 = tpu.memref_squeeze %dma_start3A_499 : memref<1x1600x32xf32, #tpu.memory_space<vmem>> -> memref<1600x32xf32, #tpu.memory_space<vmem>>
    %dma_start3A_501 = arith.constant 0 : i32
    %dma_start3A_502 = tpu.memref_slice %arg5[%dma_start3A_495, %dma_start3A_501] : memref<4x1600xi32, #tpu.memory_space<vmem>> -> memref<1x1600xi32, #tpu.memory_space<vmem>>
    %dma_start3A_503 = tpu.memref_squeeze %dma_start3A_502 : memref<1x1600xi32, #tpu.memory_space<vmem>> -> memref<1600xi32, #tpu.memory_space<vmem>>
    %dma_start3A_504 = arith.constant 0 : i32
    %dma_start3A_505 = arith.constant 0 : i32
    %dma_start3A_506 = tpu.memref_slice %arg3[%dma_start3A_504, %dma_start3A_505] : memref<1000000x32xf32, #tpu.memory_space<hbm>> -> memref<1000000x32xf32, #tpu.memory_space<hbm>>
    tpu.enqueue_indirect_dma source(%dma_start3A_506 : memref<1000000x32xf32, #tpu.memory_space<hbm>>) target(%dma_start3A_500 : memref<1600x32xf32, #tpu.memory_space<vmem>>) offsets(%dma_start3A_503 : memref<1600xi32, #tpu.memory_space<vmem>>) semaphore(%arg12 : memref<!tpu.dma_semaphore, #tpu.memory_space<semaphore_mem>>)
    %dma_wait3A_507 = arith.constant 0 : i32
    %dma_wait3A_508 = arith.constant 0 : i32
    %dma_wait3A_509 = arith.constant 0 : i32
    %dma_wait3A_510 = tpu.memref_slice %arg6[%dma_wait3A_507, %dma_wait3A_508, %dma_wait3A_509] : memref<2x1600x32xf32, #tpu.memory_space<vmem>> -> memref<1x1600x32xf32, #tpu.memory_space<vmem>>
    %dma_wait3A_511 = tpu.memref_squeeze %dma_wait3A_510 : memref<1x1600x32xf32, #tpu.memory_space<vmem>> -> memref<1600x32xf32, #tpu.memory_space<vmem>>
    %dma_wait3A_512 = arith.constant 0 : i32
    %dma_wait3A_513 = tpu.memref_slice %arg4[%mul3A_2, %dma_wait3A_512] : memref<3276800x32xf32, #tpu.memory_space<hbm>> -> memref<1600x32xf32, #tpu.memory_space<hbm>>
    %dma_wait3A_514 = arith.constant 0 : i32
    %dma_wait3A_515 = arith.constant 0 : i32
    %dma_wait3A_516 = tpu.memref_slice %arg6[%dma_wait3A_507, %dma_wait3A_514, %dma_wait3A_515] : memref<2x1600x32xf32, #tpu.memory_space<vmem>> -> memref<1x1600x32xf32, #tpu.memory_space<vmem>>
    %dma_wait3A_517 = tpu.memref_squeeze %dma_wait3A_516 : memref<1x1600x32xf32, #tpu.memory_space<vmem>> -> memref<1600x32xf32, #tpu.memory_space<vmem>>
    %dma_wait3A_518 = arith.constant 0 : i32
    %dma_wait3A_519 = tpu.memref_slice %arg4[%mul3A_2, %dma_wait3A_518] : memref<3276800x32xf32, #tpu.memory_space<hbm>> -> memref<1600x32xf32, #tpu.memory_space<hbm>>
    tpu.wait_dma2 semaphore(%arg11 : memref<!tpu.dma_semaphore, #tpu.memory_space<semaphore_mem>>) src(%dma_wait3A_519 : memref<1600x32xf32, #tpu.memory_space<hbm>>) dst(%dma_wait3A_517 : memref<1600x32xf32, #tpu.memory_space<vmem>>)
    %add3A_520 = arith.constant 99200 : i32
    %add3A_521 = arith.addi %mul3A_2, %add3A_520 : i32
    %dma_start3A_522 = arith.constant 0 : i32
    %dma_start3A_523 = arith.constant 0 : i32
    %dma_start3A_524 = arith.constant 0 : i32
    %dma_start3A_525 = tpu.memref_slice %arg6[%dma_start3A_522, %dma_start3A_523, %dma_start3A_524] : memref<2x1600x32xf32, #tpu.memory_space<vmem>> -> memref<1x1600x32xf32, #tpu.memory_space<vmem>>
    %dma_start3A_526 = tpu.memref_squeeze %dma_start3A_525 : memref<1x1600x32xf32, #tpu.memory_space<vmem>> -> memref<1600x32xf32, #tpu.memory_space<vmem>>
    %dma_start3A_527 = arith.constant 0 : i32
    %dma_start3A_528 = tpu.memref_slice %arg4[%add3A_521, %dma_start3A_527] : memref<3276800x32xf32, #tpu.memory_space<hbm>> -> memref<1600x32xf32, #tpu.memory_space<hbm>>
    %dma_start3A_529 = arith.constant 0 : i32
    %dma_start3A_530 = tpu.memref_slice %arg4[%add3A_521, %dma_start3A_529] : memref<3276800x32xf32, #tpu.memory_space<hbm>> -> memref<1600x32xf32, #tpu.memory_space<hbm>>
    %dma_start3A_531 = arith.constant 0 : i32
    %dma_start3A_532 = arith.constant 0 : i32
    %dma_start3A_533 = tpu.memref_slice %arg6[%dma_start3A_522, %dma_start3A_531, %dma_start3A_532] : memref<2x1600x32xf32, #tpu.memory_space<vmem>> -> memref<1x1600x32xf32, #tpu.memory_space<vmem>>
    %dma_start3A_534 = tpu.memref_squeeze %dma_start3A_533 : memref<1x1600x32xf32, #tpu.memory_space<vmem>> -> memref<1600x32xf32, #tpu.memory_space<vmem>>
    tpu.enqueue_dma source(%dma_start3A_534 : memref<1600x32xf32, #tpu.memory_space<vmem>>) target(%dma_start3A_530 : memref<1600x32xf32, #tpu.memory_space<hbm>>) target_semaphore(%arg13 : memref<!tpu.dma_semaphore, #tpu.memory_space<semaphore_mem>>)
    %dma_wait3A_535 = arith.constant 1 : i32
    %dma_wait3A_536 = arith.constant 0 : i32
    %dma_wait3A_537 = arith.constant 0 : i32
    %dma_wait3A_538 = tpu.memref_slice %arg6[%dma_wait3A_535, %dma_wait3A_536, %dma_wait3A_537] : memref<2x1600x32xf32, #tpu.memory_space<vmem>> -> memref<1x1600x32xf32, #tpu.memory_space<vmem>>
    %dma_wait3A_539 = tpu.memref_squeeze %dma_wait3A_538 : memref<1x1600x32xf32, #tpu.memory_space<vmem>> -> memref<1600x32xf32, #tpu.memory_space<vmem>>
    %dma_wait3A_540 = arith.constant 0 : i32
    %dma_wait3A_541 = tpu.memref_slice %arg4[%mul3A_2, %dma_wait3A_540] : memref<3276800x32xf32, #tpu.memory_space<hbm>> -> memref<1600x32xf32, #tpu.memory_space<hbm>>
    %dma_wait3A_542 = arith.constant 0 : i32
    %dma_wait3A_543 = arith.constant 0 : i32
    %dma_wait3A_544 = tpu.memref_slice %arg6[%dma_wait3A_535, %dma_wait3A_542, %dma_wait3A_543] : memref<2x1600x32xf32, #tpu.memory_space<vmem>> -> memref<1x1600x32xf32, #tpu.memory_space<vmem>>
    %dma_wait3A_545 = tpu.memref_squeeze %dma_wait3A_544 : memref<1x1600x32xf32, #tpu.memory_space<vmem>> -> memref<1600x32xf32, #tpu.memory_space<vmem>>
    %dma_wait3A_546 = arith.constant 0 : i32
    %dma_wait3A_547 = tpu.memref_slice %arg4[%mul3A_2, %dma_wait3A_546] : memref<3276800x32xf32, #tpu.memory_space<hbm>> -> memref<1600x32xf32, #tpu.memory_space<hbm>>
    tpu.wait_dma2 semaphore(%arg12 : memref<!tpu.dma_semaphore, #tpu.memory_space<semaphore_mem>>) src(%dma_wait3A_547 : memref<1600x32xf32, #tpu.memory_space<hbm>>) dst(%dma_wait3A_545 : memref<1600x32xf32, #tpu.memory_space<vmem>>)
    %add3A_548 = arith.constant 100800 : i32
    %add3A_549 = arith.addi %mul3A_2, %add3A_548 : i32
    %dma_start3A_550 = arith.constant 1 : i32
    %dma_start3A_551 = arith.constant 0 : i32
    %dma_start3A_552 = arith.constant 0 : i32
    %dma_start3A_553 = tpu.memref_slice %arg6[%dma_start3A_550, %dma_start3A_551, %dma_start3A_552] : memref<2x1600x32xf32, #tpu.memory_space<vmem>> -> memref<1x1600x32xf32, #tpu.memory_space<vmem>>
    %dma_start3A_554 = tpu.memref_squeeze %dma_start3A_553 : memref<1x1600x32xf32, #tpu.memory_space<vmem>> -> memref<1600x32xf32, #tpu.memory_space<vmem>>
    %dma_start3A_555 = arith.constant 0 : i32
    %dma_start3A_556 = tpu.memref_slice %arg4[%add3A_549, %dma_start3A_555] : memref<3276800x32xf32, #tpu.memory_space<hbm>> -> memref<1600x32xf32, #tpu.memory_space<hbm>>
    %dma_start3A_557 = arith.constant 0 : i32
    %dma_start3A_558 = tpu.memref_slice %arg4[%add3A_549, %dma_start3A_557] : memref<3276800x32xf32, #tpu.memory_space<hbm>> -> memref<1600x32xf32, #tpu.memory_space<hbm>>
    %dma_start3A_559 = arith.constant 0 : i32
    %dma_start3A_560 = arith.constant 0 : i32
    %dma_start3A_561 = tpu.memref_slice %arg6[%dma_start3A_550, %dma_start3A_559, %dma_start3A_560] : memref<2x1600x32xf32, #tpu.memory_space<vmem>> -> memref<1x1600x32xf32, #tpu.memory_space<vmem>>
    %dma_start3A_562 = tpu.memref_squeeze %dma_start3A_561 : memref<1x1600x32xf32, #tpu.memory_space<vmem>> -> memref<1600x32xf32, #tpu.memory_space<vmem>>
    tpu.enqueue_dma source(%dma_start3A_562 : memref<1600x32xf32, #tpu.memory_space<vmem>>) target(%dma_start3A_558 : memref<1600x32xf32, #tpu.memory_space<hbm>>) target_semaphore(%arg14 : memref<!tpu.dma_semaphore, #tpu.memory_space<semaphore_mem>>)
    %dma_wait3A_563 = arith.constant 0 : i32
    %dma_wait3A_564 = arith.constant 0 : i32
    %dma_wait3A_565 = arith.constant 0 : i32
    %dma_wait3A_566 = tpu.memref_slice %arg6[%dma_wait3A_563, %dma_wait3A_564, %dma_wait3A_565] : memref<2x1600x32xf32, #tpu.memory_space<vmem>> -> memref<1x1600x32xf32, #tpu.memory_space<vmem>>
    %dma_wait3A_567 = tpu.memref_squeeze %dma_wait3A_566 : memref<1x1600x32xf32, #tpu.memory_space<vmem>> -> memref<1600x32xf32, #tpu.memory_space<vmem>>
    %dma_wait3A_568 = arith.constant 0 : i32
    %dma_wait3A_569 = tpu.memref_slice %arg4[%mul3A_2, %dma_wait3A_568] : memref<3276800x32xf32, #tpu.memory_space<hbm>> -> memref<1600x32xf32, #tpu.memory_space<hbm>>
    %dma_wait3A_570 = arith.constant 0 : i32
    %dma_wait3A_571 = tpu.memref_slice %arg4[%mul3A_2, %dma_wait3A_570] : memref<3276800x32xf32, #tpu.memory_space<hbm>> -> memref<1600x32xf32, #tpu.memory_space<hbm>>
    %dma_wait3A_572 = arith.constant 0 : i32
    %dma_wait3A_573 = arith.constant 0 : i32
    %dma_wait3A_574 = tpu.memref_slice %arg6[%dma_wait3A_563, %dma_wait3A_572, %dma_wait3A_573] : memref<2x1600x32xf32, #tpu.memory_space<vmem>> -> memref<1x1600x32xf32, #tpu.memory_space<vmem>>
    %dma_wait3A_575 = tpu.memref_squeeze %dma_wait3A_574 : memref<1x1600x32xf32, #tpu.memory_space<vmem>> -> memref<1600x32xf32, #tpu.memory_space<vmem>>
    tpu.wait_dma2 semaphore(%arg13 : memref<!tpu.dma_semaphore, #tpu.memory_space<semaphore_mem>>) src(%dma_wait3A_575 : memref<1600x32xf32, #tpu.memory_space<vmem>>) dst(%dma_wait3A_571 : memref<1600x32xf32, #tpu.memory_space<hbm>>)
    %dma_wait3A_576 = arith.constant 1 : i32
    %dma_wait3A_577 = arith.constant 0 : i32
    %dma_wait3A_578 = arith.constant 0 : i32
    %dma_wait3A_579 = tpu.memref_slice %arg6[%dma_wait3A_576, %dma_wait3A_577, %dma_wait3A_578] : memref<2x1600x32xf32, #tpu.memory_space<vmem>> -> memref<1x1600x32xf32, #tpu.memory_space<vmem>>
    %dma_wait3A_580 = tpu.memref_squeeze %dma_wait3A_579 : memref<1x1600x32xf32, #tpu.memory_space<vmem>> -> memref<1600x32xf32, #tpu.memory_space<vmem>>
    %dma_wait3A_581 = arith.constant 0 : i32
    %dma_wait3A_582 = tpu.memref_slice %arg4[%mul3A_2, %dma_wait3A_581] : memref<3276800x32xf32, #tpu.memory_space<hbm>> -> memref<1600x32xf32, #tpu.memory_space<hbm>>
    %dma_wait3A_583 = arith.constant 0 : i32
    %dma_wait3A_584 = tpu.memref_slice %arg4[%mul3A_2, %dma_wait3A_583] : memref<3276800x32xf32, #tpu.memory_space<hbm>> -> memref<1600x32xf32, #tpu.memory_space<hbm>>
    %dma_wait3A_585 = arith.constant 0 : i32
    %dma_wait3A_586 = arith.constant 0 : i32
    %dma_wait3A_587 = tpu.memref_slice %arg6[%dma_wait3A_576, %dma_wait3A_585, %dma_wait3A_586] : memref<2x1600x32xf32, #tpu.memory_space<vmem>> -> memref<1x1600x32xf32, #tpu.memory_space<vmem>>
    %dma_wait3A_588 = tpu.memref_squeeze %dma_wait3A_587 : memref<1x1600x32xf32, #tpu.memory_space<vmem>> -> memref<1600x32xf32, #tpu.memory_space<vmem>>
    tpu.wait_dma2 semaphore(%arg14 : memref<!tpu.dma_semaphore, #tpu.memory_space<semaphore_mem>>) src(%dma_wait3A_588 : memref<1600x32xf32, #tpu.memory_space<vmem>>) dst(%dma_wait3A_584 : memref<1600x32xf32, #tpu.memory_space<hbm>>)
    return
  }
}

</mosaic_0001>

<sc_bundles>
// kernel: kernel.3.cloned.1.call-start
scs
__scs_entry_jumppad:
0x0: {  	(pc) =	sbr.rel $0x88, $3  }
0x1: {  	(tag) =	ssettag $0x0;
	lr =	simm.s32 $0x1  }
0x2: {  	[smem:$0x3F9F] =	sst lr;
	_ =	strace $0xD0000000  }
0x3: {  	_ = 	snop  }
0x4: {  	_ = 	snop  }
0x5: {  	_ = 	snop  }
0x6: {  	_ = 	snop  }
0x7: {  	_ = 	snop  }
__scs_overlays_trampoline_lowered:
0x8: {  	[smem:$0x3FAE] =	sst s0  }
0x9: {  	[smem:$0x3FAF] =	sst s1  }
0xa: {  	[smem:$0x3FB0] =	sst s2  }
0xb: {  	[smem:$0x3FB1] =	sst s3  }
0xc: {  	[smem:$0x3FB2] =	sst s4  }
0xd: {  	[smem:$0x3FB3] =	sst s5  }
0xe: {  	[smem:$0x3FB4] =	sst s6  }
0xf: {  	[smem:$0x3FB5] =	sst s7  }
0x10: {  	[smem:$0x3FB6] =	sst s8  }
0x11: {  	[smem:$0x3FB7] =	sst s9;
	s0 =	simm.s32 @!p0 $0x0  }
0x12: {  	s1 =	sld [smem:$0x3F9D];
	s0 =	simm.s32 @p0 $0x1  }
0x13: {  	[smem:$0x3FB8] =	sst s0;
	s0 =	simm.s32 @!p1 $0x0  }
0x14: {  	s2 =	sld [smem:$0x3F9C];
	s0 =	simm.s32 @p1 $0x1  }
0x15: {  	[smem:$0x3FB9] =	sst s0;
	s0 =	simm.s32 @!p2 $0x0  }
0x16: {  	s3 =	sld [smem:$0x3FDB];
	s0 =	simm.s32 @p2 $0x1  }
0x17: {  	s4 =	simm.s32 $0x1BF5;
	[smem:$0x3FBB] =	sst s0  }
0x18: {  	s0 =	sld [smem:$0x3F9E];
	_ =	swait.ge [sflag:s4], $0x0  }
0x19: {  	s7 =	sld [smem:$0x3F9F]  }
0x1a: {  	s8 =	sadd.s32 $0xFFFFE003, lr  }
0x1b: {  	s9 =	sadd.s32 $0xFFFFFEF7, lr;
	s5 =	simm.s32 $0xFFFFFFFF;
	p2 =	slt.u32 s8, $0xFFFFF086  }
0x1c: {  	p1 =	slt.u32 s9, $0xF7A;
	s5 =	simm.s32 @!p2 $0x0  }
0x1d: {  	s5 =	simm.s32 @p1 $0x1;
	p0 =	seq.s32 s7, s2  }
0x1e: {  	s7 =	smul.u32 @!p0 $0xF7A, s2;
	p2 =	seq.s32 @!p0 s5, $0x0  }
0x1f: {  	s9 =	smul.u32 $0xF7A, s1;
	s8 =	simm.s32 @!p0 $0x1BF5;
	p2 =	por !p2, p0  }
0x20: {  	[sflag:s8] =	ssyncset.s32 @!p0 $0xFFFFF086;
	s6 =	sadd.s32 @!p0 s3, s7;
	s7 =	simm.s32 @!p0 $0x108  }
0x21: {  	s3 =	sadd.s32 s3, s9;
	s6 =	sadd.s32 @!p0 $0x88, s6;
	s7 =	simm.s32 @p2 $0x1082  }
0x22: {  	[simem:s7], [sflag:s8] =	dma.local @!p0 [hbm:s6], $0xF7A  }
0x23: {  	s9 =	sor.u32 $0xD0000000, s2;
	s6 =	simm.s32 $0x108;
	_ =	swait.ge @!p0 [sflag:s8], $0x0  }
0x24: {  	s3 =	sadd.s32 $0x88, s3;
	s6 =	simm.s32 @!p1 $0x1082;
	[sflag:s4] =	ssyncset.s32 $0xFFFFF086  }
0x25: {  	[simem:s6], [sflag:s4] =	dma.local [hbm:s3], $0xF7A  }
0x26: {  	[smem:$0x3F9F] =	sst s1;
	(tag) =	ssettag s2;
	_ =	strace s9  }
0x27: {  	s1 =	sld [smem:$0x3FAF]  }
0x28: {  	s2 =	sld [smem:$0x3FB0]  }
0x29: {  	s4 =	sld [smem:$0x3FB2]  }
0x2a: {  	p0 =	seq.s32 s5, $0x0;
	s5 =	sld [smem:$0x3FB3]  }
0x2b: {  	s6 =	sld [smem:$0x3FB4]  }
0x2c: {  	s7 =	sld [smem:$0x3FB5]  }
0x2d: {  	s3 =	simm.s32 $0x108;
	s8 =	sld [smem:$0x3FB6]  }
0x2e: {  	s3 =	simm.s32 @!p0 $0x1082;
	s9 =	sld [smem:$0x3FB7]  }
0x2f: {  	lr =	sadd.s32 s0, s3;
	s0 =	sld [smem:$0x3FAE]  }
0x30: {  	s3 =	sld [smem:$0x3FB1]  }
0x31: {  	[smem:$0x3FBA] =	sst s10  }
0x32: {  	s10 =	sld [smem:$0x3FB8];
	_ =	sdelay $0x3  }
0x33: {  	p0 =	seq.s32 s10, $0x1;
	s10 =	sld [smem:$0x3FBA];
	_ =	sdelay $0x3  }
0x34: {  	[smem:$0x3FBA] =	sst s10  }
0x35: {  	s10 =	sld [smem:$0x3FB9];
	_ =	sdelay $0x3  }
0x36: {  	p1 =	seq.s32 s10, $0x1;
	s10 =	sld [smem:$0x3FBA];
	_ =	sdelay $0x3  }
0x37: {  	[smem:$0x3FBA] =	sst s10  }
0x38: {  	s10 =	sld [smem:$0x3FBB]  }
0x39: {  	_ = 	snop;
	(pc) =	sbr.ind lr, $3  }
0x3a: {  	_ = 	snop  }
0x3b: {  	_ = 	snop  }
0x3c: {  	p2 =	seq.s32 s10, $0x1;
	s10 =	sld [smem:$0x3FBA]  }
0x3d: {  	_ =	shalt  }
0x3e: {  	_ =	shalt  }
0x3f: {  	_ =	shalt  }
0x40: {  	_ =	shalt  }
0x41: {  	_ =	shalt  }
0x42: {  	_ =	shalt  }
0x43: {  	_ =	shalt  }
0x44: {  	_ =	shalt  }
0x45: {  	_ =	shalt  }
0x46: {  	_ =	shalt  }
0x47: {  	_ =	shalt  }
0x48: {  	_ =	shalt  }
0x49: {  	_ =	shalt  }
0x4a: {  	_ =	shalt  }
0x4b: {  	_ =	shalt  }
0x4c: {  	_ =	shalt  }
0x4d: {  	_ =	shalt  }
0x4e: {  	_ =	shalt  }
0x4f: {  	_ =	shalt  }
0x50: {  	_ =	shalt  }
0x51: {  	_ =	shalt  }
0x52: {  	_ =	shalt  }
0x53: {  	_ =	shalt  }
0x54: {  	_ =	shalt  }
0x55: {  	_ =	shalt  }
0x56: {  	_ =	shalt  }
0x57: {  	_ =	shalt  }
0x58: {  	_ =	shalt  }
0x59: {  	_ =	shalt  }
0x5a: {  	_ =	shalt  }
0x5b: {  	_ =	shalt  }
0x5c: {  	_ =	shalt  }
0x5d: {  	_ =	shalt  }
0x5e: {  	_ =	shalt  }
0x5f: {  	_ =	shalt  }
0x60: {  	_ =	shalt  }
0x61: {  	_ =	shalt  }
0x62: {  	_ =	shalt  }
0x63: {  	_ =	shalt  }
0x64: {  	_ =	shalt  }
0x65: {  	_ =	shalt  }
0x66: {  	_ =	shalt  }
0x67: {  	_ =	shalt  }
0x68: {  	_ =	shalt  }
0x69: {  	_ =	shalt  }
0x6a: {  	_ =	shalt  }
0x6b: {  	_ =	shalt  }
0x6c: {  	_ =	shalt  }
0x6d: {  	_ =	shalt  }
0x6e: {  	_ =	shalt  }
0x6f: {  	_ =	shalt  }
0x70: {  	_ =	shalt  }
0x71: {  	_ =	shalt  }
0x72: {  	_ =	shalt  }
0x73: {  	_ =	shalt  }
0x74: {  	_ =	shalt  }
0x75: {  	_ =	shalt  }
0x76: {  	_ =	shalt  }
0x77: {  	_ =	shalt  }
0x78: {  	_ =	shalt  }
0x79: {  	_ =	shalt  }
0x7a: {  	_ =	shalt  }
0x7b: {  	_ =	shalt  }
0x7c: {  	_ =	shalt  }
0x7d: {  	_ =	shalt  }
0x7e: {  	_ =	shalt  }
0x7f: {  	_ =	shalt  }
0x80: {  	_ =	shalt  }
0x81: {  	_ =	shalt  }
0x82: {  	_ =	shalt  }
0x83: {  	_ =	shalt  }
0x84: {  	_ =	shalt  }
0x85: {  	_ =	shalt  }
0x86: {  	_ =	shalt  }
0x87: {  	_ =	shalt  }
.Lfunc_end0:
.L_simem_size_0:
called_computation.1_lowered:
.L_overlay_start_0:
0x88: {  	s2 =	sld [smem:$0x3FD9]  }
0x89: {  	s3 =	sld [smem:$0x3FFE];
	_ =	sdelay $0x1  }
0x8a: {  	s1 =	srdreg.scid  }
0x8b: {  	s0 =	sand.u32 $0x1, s1  }
0x8c: {  	s17 =	sshll.u32 s0, $0xA;
	s2 =	sadd.s32 s3, s2  }
0x8d: {  	s2 =	sadd.s32 s2, s17  }
0x8e: {  	[smem:$0x3FC6] =	sst s2  }
0x8f: {  	_ = 	snop  }
0x90: {  	s2 =	sld [smem:$0x3FD0];
	(tm) =	ssettm $0x1  }
0x91: {  	s18 =	sld [smem:$0x3FFB];
	_ =	sdelay $0x3  }
0x92: {  	_ =	strace s18  }
0x93: {  	s3 =	sld [smem:$0x3FFC];
	_ =	sdelay $0x3  }
0x94: {  	_ =	strace s3  }
0x95: {  	s3 =	sld [smem:$0x3FFD];
	_ =	sdelay $0x3  }
0x96: {  	_ =	strace s3  }
0x97: {  	_ =	strace $0x8FFFFFFF  }
0x98: {  	s19 =	sld [smem:$0x3FDB];
	_ =	sdelay $0x1  }
0x99: {  	s4 =	simm.s32 $_scs_section_size  }
0x9a: {  	s5 =	simm.s32 $_size__tile_overlayer_lowered;
	s6 =	simm.s32 $_tile_overlayer_lowered  }
0x9b: {  	s22 =	simm.s32 $0x1BFF;
	s21 =	sshll.u32 s6, $0x1;
	s3 =	sadd.s32 s4, s19  }
0x9c: {  	s7 =	simm.s32 $0x0;
	s20 =	sshll.u32 s5, $0x1;
	s5 =	sadd.s32 s21, s3  }
0x9d: {  	[timem:s7], [sflag:s22] =	dma.local [hbm:s5], s20  }
0x9e: {  	_ =	swait.ge [sflag:s22], s20  }
0x9f: {  	s4 =	ssub.s32 $0x0, s20;
	[sflag:s22] =	ssyncset.done $0x0  }
0xa0: {  	[sflag:s22] =	ssyncadd.s32 s4;
	_ =	sdelay $0x1  }
0xa1: {  	s23 =	simm.s32 $0x1B8B  }
0xa2: {  	_ =	swait.ge [sflag:s23], $0x1  }
0xa3: {  	[sflag:s23] =	ssyncset.done $0x0  }
0xa4: {  	s25 =	simm.s32 $0x1B8E;
	s24 =	sld [smem:$0x3FFE];
	[sflag:s23] =	ssyncadd.s32 $0xFFFFFFFF  }
0xa5: {  	s26 =	simm.s32 $execute0_lowered;
	[smem:$0x3FD2] =	sst s25  }
0xa6: {  	s5 =	sshll.u32 s26, $0x1;
	_ =	strace $0x80000046;
	[dreg:$0x1] =	wrdreg $0xFFFFFFFF  }
0xa7: {  	s28 =	simm.s32 $_size_execute0_lowered;
	s3 =	sadd.s32 s3, s5;
	[dreg:$0x0] =	wrdreg $0x0  }
0xa8: {  	s5 =	sshll.u32 s28, $0x1;
	[dreg:$0x2] =	wrdreg s3  }
0xa9: {  	[dreg:$0x3] =	wrdreg s5  }
0xaa: {  	[dreg:$0x4] =	wrdreg $0xC0  }
0xab: {  	_ =	task [dreg:s7], $0x5FFFF  }
0xac: {  	[dreg:$0x1] =	wrdreg $0xFFFFFFFF  }
0xad: {  	[dreg:$0x0] =	wrdreg $0x60  }
0xae: {  	[dreg:$0x2] =	wrdreg s24  }
0xaf: {  	[dreg:$0x3] =	wrdreg s2  }
0xb0: {  	[dreg:$0x4] =	wrdreg $0x9  }
0xb1: {  	_ =	task.clear_ibuf [dreg:s7], $0x5FFFF;
	_ =	strace $0x90000046  }
0xb2: {  	s29 =	simm.s32 $0x9;
	_ =	strace $0x80000048  }
0xb3: {  	_ =	swait.ge [sflag:s29], $0x1  }
0xb4: {  	[sflag:s29] =	ssyncadd.s32 $0xFFFFFFFF  }
0xb5: {  	_ =	strace $0x90000048  }
0xb6: {  	_ =	sfence  }
0xb7: {  	s30 =	sld [smem:$0x0];
	_ =	sdelay $0x2  }
0xb8: {  	s31 =	sshll.u32 s1, $0xD;
	s1 =	sshrl.u32 s1, $0x2  }
0xb9: {  	s3 =	sand.u32 $0x4000, s31;
	s1 =	sadd.s32 s1, s30  }
0xba: {  	s0 =	sor.u32 s3, s0;
	s1 =	sshll.u32 s1, $0x11  }
0xbb: {  	s0 =	sor.u32 s1, s0  }
0xbc: {  	s0 =	sadd.s32 $0x8F2B, s0  }
0xbd: {  	[sflag:s0] =	ssyncadd.remote.s32 $0x1  }
0xbe: {  	_ =	sfence.sel $0xFFFF  }
0xbf: {  	[dreg:$0x0] =	wrdreg $0xFFFFFFFF;
	(pc) =	sbr.abs _section_cstart, $3  }
0xc0: {  	[dreg:$0x1] =	wrdreg $0xFFFFFFFF  }
0xc1: {  	_ =	task.clear_ibuf [dreg:s7], $0x2FFFF;
	_ =	strace $0x9FFFFFFF  }
0xc2: {  	(tm) =	ssettm $0x7FFFFFFF  }
0xc3: {  	_ =	shalt  }
tec
execute0_lowered:
.L_overlay_start_1:
0x0: {  	(tag) =	ssettag $0x1  }
0x1: {  	s1 =	rddreg [dreg:$0x0];
	s2 =	srdreg.scid  }
0x2: {  	s13 =	stileid.u32;
	s0 =	rddreg [dreg:$0x1]  }
0x3: {  	s29 =	simm.s32 $0x640;
	s30 =	simm.s32 $0x1;
	s31 =	simm.s32 $0x1900  }
0x4: {  	s4 =	sand.u32 $0x1, s2;
	s3 =	sshll.u32 s13, $0x1;
	s19 =	smul.u32 $0x32000, s13  }
0x5: {  	s5 =	sor.u32 s4, s3;
	s6 =	ssub.s32 $0x2, s4;
	s4 =	smul.u32 $0x19000, s4  }
0x6: {  	s2 =	simm.s32 $0x0;
	s8 =	sadd.s32 $0x800, s1;
	s7 =	smul.u32 $0x19000, s5  }
0x7: {  	[smem:$0x7FF] =	sst s2;
	s3 =	sadd.s32 $0xFA6C00, s1;
	s11 =	smul.u32 $0x64000, s5  }
0x8: {  	_ =	strace $0x80000047;
	s9 =	sshrl.u32 s6, $0x1;
	s5 =	smul.u32 $0x320000, s5  }
0x9: {  	s1 =	ssub.s32 s6, s9;
	s4 =	sadd.s32 s4, s19;
	s23 =	sshrl.u32 s7, $0x3  }
0xa: {  	s24 =	sor.u32 $0x640, s7;
	s10 =	sor.u32 $0xC80, s7;
	s11 =	sadd.s32 s0, s11  }
0xb: {  	s5 =	sshrl.u32 s5, $0x3;
	s18 =	sadd.s32 $0x18380, s7;
	s7 =	sadd.s32 $0x189C0, s7  }
0xc: {  	s13 =	sadd.s32 $0x2580, s4;
	s1 =	smax.u32 s1, $0x1;
	s14 =	sadd.s32 s8, s23  }
0xd: {  	s25 =	sshrl.u32 s24, $0x3;
	s12 =	sshrl.u32 s10, $0x3;
	[dreg:$0x6] =	wrdreg s11  }
0xe: {  	s15 =	sshll.u32 s10, $0x2;
	s5 =	sadd.s32 s0, s5;
	s20 =	sshrl.u32 s18, $0x3  }
0xf: {  	s23 =	sshrl.u32 s7, $0x3;
	[dreg:$0x11] =	wrdreg s1;
	s6 =	sadd.s32 s8, s25  }
0x10: {  	s9 =	sshll.u32 s7, $0x2;
	s26 =	sadd.s32 s8, s12;
	[dreg:$0x4] =	wrdreg s6  }
0x11: {  	s1 =	simm.s32 $0xC80;
	s16 =	sadd.s32 $0x258, s14;
	[dreg:$0x5] =	wrdreg s26  }
0x12: {  	s7 =	simm.s32 $0x12C0;
	s17 =	sadd.s32 s0, s15;
	[dreg:$0x7] =	wrdreg s16  }
0x13: {  	s12 =	sshll.u32 s24, $0x2;
	s21 =	sadd.s32 $0x5C300, s5;
	[dreg:$0x9] =	wrdreg s17  }
0x14: {  	s10 =	sadd.s32 s8, s20;
	s22 =	sadd.s32 $0x5DC00, s5;
	[dreg:$0xa] =	wrdreg s21  }
0x15: {  	s24 =	sadd.s32 s8, s23;
	s25 =	sadd.s32 $0x3840, s4;
	[dreg:$0xb] =	wrdreg s10  }
0x16: {  	s5 =	sadd.s32 $0x5F500, s5;
	s15 =	sshrl.u32 s13, $0x3;
	[dreg:$0xc] =	wrdreg s22  }
0x17: {  	s28 =	smov.u32 s14;
	s6 =	sadd.s32 s0, s12;
	[dreg:$0xd] =	wrdreg s24  }
0x18: {  	[dreg:$0xe] =	wrdreg s5;
	s10 =	sadd.s32 $0x3200, s4;
	s12 =	sadd.s32 $0x2BC0, s4  }
0x19: {  	s4 =	sshll.u32 s4, $0x2;
	s20 =	sadd.s32 s15, s8;
	s17 =	sshll.u32 s13, $0x2  }
0x1a: {  	s21 =	sadd.s32 $0x320, s14;
	s13 =	simm.s32 $0x0;
	[dreg:$0x8] =	wrdreg s6  }
0x1b: {  	s6 =	sshll.u32 s18, $0x2;
	s11 =	sshrl.u32 s10, $0x3;
	s16 =	sadd.s32 $0x20004B00, s4  }
0x1c: {  	s4 =	sadd.s32 s0, s4;
	s22 =	sadd.s32 s17, s0;
	[dreg:$0x12] =	wrdreg s21  }
0x1d: {  	s10 =	simm.s32 $0x6;
	s26 =	sadd.s32 s0, s6;
	s6 =	sshrl.u32 s25, $0x3  }
0x1e: {  	s18 =	sadd.s32 s11, s8;
	s24 =	sadd.s32 $0x7D00, s4;
	s25 =	sadd.s32 $0x6400, s4  }
0x1f: {  	[dreg:$0xf] =	wrdreg s26;
	s5 =	sadd.s32 s6, s8;
	s6 =	sadd.s32 s0, s9  }
0x20: {  	s11 =	simm.s32 $0x4;
	s26 =	sadd.s32 $0x3E8, s14;
	[dreg:$0x10] =	wrdreg s6  }
0x21: {  	s9 =	simm.s32 $0x7;
	[dreg:$0x3] =	wrdreg s5;
	s5 =	sshrl.u32 s12, $0x3  }
0x22: {  	[dreg:$0x13] =	wrdreg s26;
	s6 =	simm.s32 $0x5;
	s12 =	simm.s32 $0x8  }
0x23: {  	s19 =	sadd.s32 s5, s8;
	s5 =	sand.u32 $0x3FFCB00, s16;
	s8 =	simm.s32 $0x3  }
0x24: {  	s23 =	sadd.s32 s5, s0;
	s0 =	simm.s32 $0x2;
	s5 =	simm.s32 $0xE100  }
.LBB2_1:
0x25: {  	[tilespmem:s2], [sflag:$0x1] =	stream.linear.gather [hbm4b:s28+s2], $0x640, $0x38;
	[tilespmem:$0x1A900] =	vst v63  }
0x26: {  	s4 =	rddreg [dreg:$0x4]  }
0x27: {  	[tilespmem:s29], [sflag:$0x2] =	stream.linear.gather [hbm4b:s4+s2], $0x640, $0x38;
	[tilespmem:$0x1A900] =	vst v63  }
0x28: {  	_ =	swait.ge [sflag:s30], $0x640  }
0x29: {  	[sflag:s30] =	ssyncset.done $0x0  }
0x2a: {  	[sflag:s30] =	ssyncadd.s32 $0xFFFFF9C0  }
0x2b: {  	[tilespmem:s31], [sflag:$0x5] =	stream.indirect.gather [hbm4b:s3+s29], $0x20, s2, s29, $0xb8;
	[tilespmem:$0x1A900] =	vst v63  }
0x2c: {  	s15 =	rddreg [dreg:$0x5]  }
0x2d: {  	[tilespmem:s1], [sflag:$0x3] =	stream.linear.gather [hbm4b:s15+s2], $0x640, $0x38;
	[tilespmem:$0x1A900] =	vst v63  }
0x2e: {  	_ =	swait.ge [sflag:s0], $0x640  }
0x2f: {  	[sflag:s0] =	ssyncset.done $0x0  }
0x30: {  	[sflag:s0] =	ssyncadd.s32 $0xFFFFF9C0  }
0x31: {  	[tilespmem:s5], [sflag:$0x6] =	stream.indirect.gather [hbm4b:s3+s29], $0x20, s29, s29, $0xb8;
	[tilespmem:$0x1A900] =	vst v63  }
0x32: {  	_ =	swait.ge [sflag:s6], $0xC800  }
0x33: {  	[sflag:s6] =	ssyncset.done $0x0  }
0x34: {  	s16 =	rddreg [dreg:$0x6];
	[sflag:s6] =	ssyncadd.s32 $0xFFFF3800  }
0x35: {  	[hbm4b:s16+s2] =	stream.linear.scatter [tilespmem:s31], [sflag:$0x7], $0xC800, $0x38;
	[tilespmem:$0x1A900] =	vst v63  }
0x36: {  	s17 =	rddreg [dreg:$0x7]  }
0x37: {  	[tilespmem:s7], [sflag:$0x4] =	stream.linear.gather [hbm4b:s17+s2], $0x640, $0x38;
	[tilespmem:$0x1A900] =	vst v63  }
0x38: {  	_ =	swait.ge [sflag:s8], $0x640  }
0x39: {  	[sflag:s8] =	ssyncset.done $0x0  }
0x3a: {  	[sflag:s8] =	ssyncadd.s32 $0xFFFFF9C0  }
0x3b: {  	_ =	swait.ge [sflag:s9], $0xC800  }
0x3c: {  	[sflag:s9] =	ssyncset.done $0x0  }
0x3d: {  	[sflag:s9] =	ssyncadd.s32 $0xFFFF3800  }
0x3e: {  	[tilespmem:s31], [sflag:$0x5] =	stream.indirect.gather [hbm4b:s3+s29], $0x20, s1, s29, $0xb8;
	[tilespmem:$0x1A900] =	vst v63  }
0x3f: {  	_ =	swait.ge [sflag:s10], $0xC800  }
0x40: {  	[sflag:s10] =	ssyncset.done $0x0  }
0x41: {  	s21 =	rddreg [dreg:$0x8];
	[sflag:s10] =	ssyncadd.s32 $0xFFFF3800  }
0x42: {  	[hbm4b:s21+s2] =	stream.linear.scatter [tilespmem:s5], [sflag:$0x8], $0xC800, $0x38;
	[tilespmem:$0x1A900] =	vst v63  }
0x43: {  	s26 =	rddreg [dreg:$0x12]  }
0x44: {  	[tilespmem:s2], [sflag:$0x1] =	stream.linear.gather [hbm4b:s26+s2], $0x640, $0x38;
	[tilespmem:$0x1A900] =	vst v63  }
0x45: {  	_ =	swait.ge [sflag:s11], $0x640  }
0x46: {  	[sflag:s11] =	ssyncset.done $0x0  }
0x47: {  	[sflag:s11] =	ssyncadd.s32 $0xFFFFF9C0  }
0x48: {  	_ =	swait.ge [sflag:s12], $0xC800  }
0x49: {  	[sflag:s12] =	ssyncset.done $0x0  }
0x4a: {  	[sflag:s12] =	ssyncadd.s32 $0xFFFF3800  }
0x4b: {  	[tilespmem:s5], [sflag:$0x6] =	stream.indirect.gather [hbm4b:s3+s29], $0x20, s7, s29, $0xb8;
	[tilespmem:$0x1A900] =	vst v63  }
0x4c: {  	_ =	swait.ge [sflag:s6], $0xC800  }
0x4d: {  	[sflag:s6] =	ssyncset.done $0x0  }
0x4e: {  	s14 =	rddreg [dreg:$0x9];
	[sflag:s6] =	ssyncadd.s32 $0xFFFF3800  }
0x4f: {  	[hbm4b:s14+s2] =	stream.linear.scatter [tilespmem:s31], [sflag:$0x7], $0xC800, $0x38;
	[tilespmem:$0x1A900] =	vst v63  }
0x50: {  	s15 =	rddreg [dreg:$0x13]  }
0x51: {  	[tilespmem:s29], [sflag:$0x2] =	stream.linear.gather [hbm4b:s15+s2], $0x640, $0x38;
	[tilespmem:$0x1A900] =	vst v63  }
0x52: {  	_ =	swait.ge [sflag:s30], $0x640  }
0x53: {  	[sflag:s30] =	ssyncset.done $0x0  }
0x54: {  	[sflag:s30] =	ssyncadd.s32 $0xFFFFF9C0  }
0x55: {  	_ =	swait.ge [sflag:s9], $0xC800  }
0x56: {  	[sflag:s9] =	ssyncset.done $0x0  }
0x57: {  	[sflag:s9] =	ssyncadd.s32 $0xFFFF3800  }
0x58: {  	[tilespmem:s31], [sflag:$0x5] =	stream.indirect.gather [hbm4b:s3+s29], $0x20, s2, s29, $0xb8;
	[tilespmem:$0x1A900] =	vst v63  }
0x59: {  	_ =	swait.ge [sflag:s10], $0xC800  }
0x5a: {  	[sflag:s10] =	ssyncset.done $0x0  }
0x5b: {  	[sflag:s10] =	ssyncadd.s32 $0xFFFF3800  }
0x5c: {  	[hbm4b:s23+s2] =	stream.linear.scatter [tilespmem:s5], [sflag:$0x8], $0xC800, $0x38;
	[tilespmem:$0x1A900] =	vst v63  }
0x5d: {  	s16 =	sadd.s32 $0x0, s20  }
0x5e: {  	[tilespmem:s1], [sflag:$0x3] =	stream.linear.gather [hbm4b:s16+s2], $0x640, $0x38;
	[tilespmem:$0x1A900] =	vst v63  }
0x5f: {  	_ =	swait.ge [sflag:s0], $0x640  }
0x60: {  	[sflag:s0] =	ssyncset.done $0x0  }
0x61: {  	[sflag:s0] =	ssyncadd.s32 $0xFFFFF9C0  }
0x62: {  	_ =	swait.ge [sflag:s12], $0xC800  }
0x63: {  	[sflag:s12] =	ssyncset.done $0x0  }
0x64: {  	[sflag:s12] =	ssyncadd.s32 $0xFFFF3800  }
0x65: {  	[tilespmem:s5], [sflag:$0x6] =	stream.indirect.gather [hbm4b:s3+s29], $0x20, s29, s29, $0xb8;
	[tilespmem:$0x1A900] =	vst v63  }
0x66: {  	_ =	swait.ge [sflag:s6], $0xC800  }
0x67: {  	[sflag:s6] =	ssyncset.done $0x0  }
0x68: {  	[sflag:s6] =	ssyncadd.s32 $0xFFFF3800  }
0x69: {  	[hbm4b:s25+s2] =	stream.linear.scatter [tilespmem:s31], [sflag:$0x7], $0xC800, $0x38;
	[tilespmem:$0x1A900] =	vst v63  }
0x6a: {  	s17 =	sadd.s32 $0x0, s19  }
0x6b: {  	[tilespmem:s7], [sflag:$0x4] =	stream.linear.gather [hbm4b:s17+s2], $0x640, $0x38;
	[tilespmem:$0x1A900] =	vst v63  }
0x6c: {  	_ =	swait.ge [sflag:s8], $0x640  }
0x6d: {  	[sflag:s8] =	ssyncset.done $0x0  }
0x6e: {  	[sflag:s8] =	ssyncadd.s32 $0xFFFFF9C0  }
0x6f: {  	_ =	swait.ge [sflag:s9], $0xC800  }
0x70: {  	[sflag:s9] =	ssyncset.done $0x0  }
0x71: {  	[sflag:s9] =	ssyncadd.s32 $0xFFFF3800  }
0x72: {  	[tilespmem:s31], [sflag:$0x5] =	stream.indirect.gather [hbm4b:s3+s29], $0x20, s1, s29, $0xb8;
	[tilespmem:$0x1A900] =	vst v63  }
0x73: {  	_ =	swait.ge [sflag:s10], $0xC800  }
0x74: {  	[sflag:s10] =	ssyncset.done $0x0  }
0x75: {  	[sflag:s10] =	ssyncadd.s32 $0xFFFF3800  }
0x76: {  	[hbm4b:s24+s2] =	stream.linear.scatter [tilespmem:s5], [sflag:$0x8], $0xC800, $0x38;
	[tilespmem:$0x1A900] =	vst v63  }
0x77: {  	s21 =	sadd.s32 $0x0, s18  }
0x78: {  	[tilespmem:s2], [sflag:$0x1] =	stream.linear.gather [hbm4b:s21+s2], $0x640, $0x38;
	[tilespmem:$0x1A900] =	vst v63  }
0x79: {  	_ =	swait.ge [sflag:s11], $0x640  }
0x7a: {  	[sflag:s11] =	ssyncset.done $0x0  }
0x7b: {  	[sflag:s11] =	ssyncadd.s32 $0xFFFFF9C0  }
0x7c: {  	_ =	swait.ge [sflag:s12], $0xC800  }
0x7d: {  	[sflag:s12] =	ssyncset.done $0x0  }
0x7e: {  	s4 =	sadd.s32 $0x6400, s24;
	[sflag:s12] =	ssyncadd.s32 $0xFFFF3800  }
0x7f: {  	[tilespmem:s5], [sflag:$0x6] =	stream.indirect.gather [hbm4b:s3+s29], $0x20, s7, s29, $0xb8;
	[tilespmem:$0x1A900] =	vst v63  }
0x80: {  	s14 =	simm.s32 $0x320;
	s15 =	sadd.s32 $0x6400, s23;
	_ =	swait.ge [sflag:s6], $0xC800  }
0x81: {  	s16 =	sadd.s32 $0x6400, s25;
	[sflag:s6] =	ssyncset.done $0x0;
	s26 =	rddreg [dreg:$0x3]  }
0x82: {  	s17 =	sadd.s32 $0x6400, s22;
	[sflag:s6] =	ssyncadd.s32 $0xFFFF3800;
	s21 =	sadd.s32 $0x0, s26  }
0x83: {  	[hbm4b:s22+s2] =	stream.linear.scatter [tilespmem:s31], [sflag:$0x7], $0xC800, $0x38;
	[tilespmem:$0x1A900] =	vst v63  }
.LBB2_2:
0x84: {  	[tilespmem:s29], [sflag:$0x2] =	stream.linear.gather [hbm4b:s21+s2], $0x640, $0x38;
	[tilespmem:$0x1A900] =	vst v63  }
0x85: {  	_ =	swait.ge [sflag:s30], $0x640  }
0x86: {  	[sflag:s30] =	ssyncset.done $0x0  }
0x87: {  	[sflag:s30] =	ssyncadd.s32 $0xFFFFF9C0  }
0x88: {  	_ =	swait.ge [sflag:s9], $0xC800  }
0x89: {  	[sflag:s9] =	ssyncset.done $0x0  }
0x8a: {  	[sflag:s9] =	ssyncadd.s32 $0xFFFF3800  }
0x8b: {  	[tilespmem:s31], [sflag:$0x5] =	stream.indirect.gather [hbm4b:s3+s29], $0x20, s2, s29, $0xb8;
	[tilespmem:$0x1A900] =	vst v63  }
0x8c: {  	_ =	swait.ge [sflag:s10], $0xC800  }
0x8d: {  	[sflag:s10] =	ssyncset.done $0x0  }
0x8e: {  	s21 =	smov.u32 s14;
	[sflag:s10] =	ssyncadd.s32 $0xFFFF3800  }
0x8f: {  	[hbm4b:s15+s2] =	stream.linear.scatter [tilespmem:s5], [sflag:$0x8], $0xC800, $0x38;
	[tilespmem:$0x1A900] =	vst v63  }
0x90: {  	s26 =	sadd.s32 s21, s20  }
0x91: {  	[tilespmem:s1], [sflag:$0x3] =	stream.linear.gather [hbm4b:s26+s2], $0x640, $0x38;
	[tilespmem:$0x1A900] =	vst v63  }
0x92: {  	_ =	swait.ge [sflag:s0], $0x640  }
0x93: {  	[sflag:s0] =	ssyncset.done $0x0  }
0x94: {  	[sflag:s0] =	ssyncadd.s32 $0xFFFFF9C0  }
0x95: {  	_ =	swait.ge [sflag:s12], $0xC800  }
0x96: {  	[sflag:s12] =	ssyncset.done $0x0  }
0x97: {  	[sflag:s12] =	ssyncadd.s32 $0xFFFF3800  }
0x98: {  	[tilespmem:s5], [sflag:$0x6] =	stream.indirect.gather [hbm4b:s3+s29], $0x20, s29, s29, $0xb8;
	[tilespmem:$0x1A900] =	vst v63  }
0x99: {  	_ =	swait.ge [sflag:s6], $0xC800  }
0x9a: {  	[sflag:s6] =	ssyncset.done $0x0  }
0x9b: {  	[sflag:s6] =	ssyncadd.s32 $0xFFFF3800  }
0x9c: {  	[hbm4b:s16+s2] =	stream.linear.scatter [tilespmem:s31], [sflag:$0x7], $0xC800, $0x38;
	[tilespmem:$0x1A900] =	vst v63  }
0x9d: {  	s26 =	sadd.s32 s21, s19  }
0x9e: {  	[tilespmem:s7], [sflag:$0x4] =	stream.linear.gather [hbm4b:s26+s2], $0x640, $0x38;
	[tilespmem:$0x1A900] =	vst v63  }
0x9f: {  	_ =	swait.ge [sflag:s8], $0x640  }
0xa0: {  	[sflag:s8] =	ssyncset.done $0x0  }
0xa1: {  	[sflag:s8] =	ssyncadd.s32 $0xFFFFF9C0  }
0xa2: {  	_ =	swait.ge [sflag:s9], $0xC800  }
0xa3: {  	[sflag:s9] =	ssyncset.done $0x0  }
0xa4: {  	[sflag:s9] =	ssyncadd.s32 $0xFFFF3800  }
0xa5: {  	[tilespmem:s31], [sflag:$0x5] =	stream.indirect.gather [hbm4b:s3+s29], $0x20, s1, s29, $0xb8;
	[tilespmem:$0x1A900] =	vst v63  }
0xa6: {  	_ =	swait.ge [sflag:s10], $0xC800  }
0xa7: {  	[sflag:s10] =	ssyncset.done $0x0  }
0xa8: {  	[sflag:s10] =	ssyncadd.s32 $0xFFFF3800  }
0xa9: {  	[hbm4b:s4+s2] =	stream.linear.scatter [tilespmem:s5], [sflag:$0x8], $0xC800, $0x38;
	[tilespmem:$0x1A900] =	vst v63  }
0xaa: {  	s26 =	sadd.s32 s21, s18  }
0xab: {  	[tilespmem:s2], [sflag:$0x1] =	stream.linear.gather [hbm4b:s26+s2], $0x640, $0x38;
	[tilespmem:$0x1A900] =	vst v63  }
0xac: {  	_ =	swait.ge [sflag:s11], $0x640  }
0xad: {  	[sflag:s11] =	ssyncset.done $0x0  }
0xae: {  	[sflag:s11] =	ssyncadd.s32 $0xFFFFF9C0  }
0xaf: {  	_ =	swait.ge [sflag:s12], $0xC800  }
0xb0: {  	[sflag:s12] =	ssyncset.done $0x0  }
0xb1: {  	p0 =	sne.s32 s14, $0x28A0;
	[sflag:s12] =	ssyncadd.s32 $0xFFFF3800  }
0xb2: {  	[tilespmem:s5], [sflag:$0x6] =	stream.indirect.gather [hbm4b:s3+s29], $0x20, s7, s29, $0xb8;
	[tilespmem:$0x1A900] =	vst v63  }
.Ltmp0:
0xb3: {  	_ =	swait.ge [sflag:s6], $0xC800;
	(pc) =	sbr.rel @p0 .LBB2_2-.Ltmp0, $4  }
0xb4: {  	s14 =	sadd.s32 $0x320, s14;
	s15 =	sadd.s32 $0x6400, s15;
	[sflag:s6] =	ssyncset.done $0x0  }
0xb5: {  	s16 =	sadd.s32 $0x6400, s16;
	s26 =	rddreg [dreg:$0x3];
	[sflag:s6] =	ssyncadd.s32 $0xFFFF3800  }
0xb6: {  	[hbm4b:s17+s2] =	stream.linear.scatter [tilespmem:s31], [sflag:$0x7], $0xC800, $0x38;
	[tilespmem:$0x1A900] =	vst v63  }
0xb7: {  	s4 =	sadd.s32 $0x6400, s4;
	s21 =	sadd.s32 s21, s26;
	s17 =	sadd.s32 $0x6400, s17  }
0xb8: {  	[tilespmem:s29], [sflag:$0x2] =	stream.linear.gather [hbm4b:s21+s2], $0x640, $0x38;
	[tilespmem:$0x1A900] =	vst v63  }
0xb9: {  	_ =	swait.ge [sflag:s30], $0x640  }
0xba: {  	[sflag:s30] =	ssyncset.done $0x0  }
0xbb: {  	[sflag:s30] =	ssyncadd.s32 $0xFFFFF9C0  }
0xbc: {  	_ =	swait.ge [sflag:s9], $0xC800  }
0xbd: {  	[sflag:s9] =	ssyncset.done $0x0  }
0xbe: {  	[sflag:s9] =	ssyncadd.s32 $0xFFFF3800  }
0xbf: {  	[tilespmem:s31], [sflag:$0x5] =	stream.indirect.gather [hbm4b:s3+s29], $0x20, s2, s29, $0xb8;
	[tilespmem:$0x1A900] =	vst v63  }
0xc0: {  	_ =	swait.ge [sflag:s10], $0xC800  }
0xc1: {  	[sflag:s10] =	ssyncset.done $0x0  }
0xc2: {  	s4 =	rddreg [dreg:$0xa];
	[sflag:s10] =	ssyncadd.s32 $0xFFFF3800  }
0xc3: {  	[hbm4b:s4+s2] =	stream.linear.scatter [tilespmem:s5], [sflag:$0x8], $0xC800, $0x38;
	[tilespmem:$0x1A900] =	vst v63  }
0xc4: {  	s26 =	rddreg [dreg:$0xb]  }
0xc5: {  	[tilespmem:s1], [sflag:$0x3] =	stream.linear.gather [hbm4b:s26+s2], $0x640, $0x38;
	[tilespmem:$0x1A900] =	vst v63  }
0xc6: {  	_ =	swait.ge [sflag:s0], $0x640  }
0xc7: {  	[sflag:s0] =	ssyncset.done $0x0  }
0xc8: {  	[sflag:s0] =	ssyncadd.s32 $0xFFFFF9C0  }
0xc9: {  	_ =	swait.ge [sflag:s12], $0xC800  }
0xca: {  	[sflag:s12] =	ssyncset.done $0x0  }
0xcb: {  	[sflag:s12] =	ssyncadd.s32 $0xFFFF3800  }
0xcc: {  	[tilespmem:s5], [sflag:$0x6] =	stream.indirect.gather [hbm4b:s3+s29], $0x20, s29, s29, $0xb8;
	[tilespmem:$0x1A900] =	vst v63  }
0xcd: {  	_ =	swait.ge [sflag:s6], $0xC800  }
0xce: {  	[sflag:s6] =	ssyncset.done $0x0  }
0xcf: {  	s14 =	rddreg [dreg:$0xc];
	[sflag:s6] =	ssyncadd.s32 $0xFFFF3800  }
0xd0: {  	[hbm4b:s14+s2] =	stream.linear.scatter [tilespmem:s31], [sflag:$0x7], $0xC800, $0x38;
	[tilespmem:$0x1A900] =	vst v63  }
0xd1: {  	s15 =	rddreg [dreg:$0xd]  }
0xd2: {  	[tilespmem:s7], [sflag:$0x4] =	stream.linear.gather [hbm4b:s15+s2], $0x640, $0x38;
	[tilespmem:$0x1A900] =	vst v63  }
0xd3: {  	_ =	swait.ge [sflag:s8], $0x640  }
0xd4: {  	[sflag:s8] =	ssyncset.done $0x0  }
0xd5: {  	[sflag:s8] =	ssyncadd.s32 $0xFFFFF9C0  }
0xd6: {  	_ =	swait.ge [sflag:s9], $0xC800  }
0xd7: {  	[sflag:s9] =	ssyncset.done $0x0  }
0xd8: {  	[sflag:s9] =	ssyncadd.s32 $0xFFFF3800  }
0xd9: {  	[tilespmem:s31], [sflag:$0x5] =	stream.indirect.gather [hbm4b:s3+s29], $0x20, s1, s29, $0xb8;
	[tilespmem:$0x1A900] =	vst v63  }
0xda: {  	_ =	swait.ge [sflag:s10], $0xC800  }
0xdb: {  	[sflag:s10] =	ssyncset.done $0x0  }
0xdc: {  	s16 =	rddreg [dreg:$0xe];
	[sflag:s10] =	ssyncadd.s32 $0xFFFF3800  }
0xdd: {  	[hbm4b:s16+s2] =	stream.linear.scatter [tilespmem:s5], [sflag:$0x8], $0xC800, $0x38;
	[tilespmem:$0x1A900] =	vst v63  }
0xde: {  	_ =	swait.ge [sflag:s11], $0x640  }
0xdf: {  	[sflag:s11] =	ssyncset.done $0x0  }
0xe0: {  	[sflag:s11] =	ssyncadd.s32 $0xFFFFF9C0  }
0xe1: {  	_ =	swait.ge [sflag:s12], $0xC800  }
0xe2: {  	[sflag:s12] =	ssyncset.done $0x0  }
0xe3: {  	[sflag:s12] =	ssyncadd.s32 $0xFFFF3800  }
0xe4: {  	[tilespmem:s5], [sflag:$0x6] =	stream.indirect.gather [hbm4b:s3+s29], $0x20, s7, s29, $0xb8;
	[tilespmem:$0x1A900] =	vst v63  }
0xe5: {  	_ =	swait.ge [sflag:s6], $0xC800  }
0xe6: {  	[sflag:s6] =	ssyncset.done $0x0  }
0xe7: {  	s17 =	rddreg [dreg:$0xf];
	[sflag:s6] =	ssyncadd.s32 $0xFFFF3800  }
0xe8: {  	[hbm4b:s17+s2] =	stream.linear.scatter [tilespmem:s31], [sflag:$0x7], $0xC800, $0x38;
	[tilespmem:$0x1A900] =	vst v63  }
0xe9: {  	_ =	swait.ge [sflag:s10], $0xC800  }
0xea: {  	[sflag:s10] =	ssyncset.done $0x0  }
0xeb: {  	s21 =	rddreg [dreg:$0x10];
	[sflag:s10] =	ssyncadd.s32 $0xFFFF3800  }
0xec: {  	[hbm4b:s21+s2] =	stream.linear.scatter [tilespmem:s5], [sflag:$0x8], $0xC800, $0x38;
	[tilespmem:$0x1A900] =	vst v63  }
0xed: {  	_ =	swait.ge [sflag:s9], $0xC800  }
0xee: {  	[sflag:s9] =	ssyncset.done $0x0  }
0xef: {  	[sflag:s9] =	ssyncadd.s32 $0xFFFF3800  }
0xf0: {  	_ =	swait.ge [sflag:s12], $0xC800  }
0xf1: {  	s13 =	sadd.s32 $0x1, s13;
	s26 =	rddreg [dreg:$0x11]  }
0xf2: {  	p0 =	sne.s32 s13, s26  }
.Ltmp1:
0xf3: {  	_ = 	snop;
	(pc) =	sbr.rel @p0 .LBB2_1-.Ltmp1, $3  }
0xf4: {  	_ =	sdelay $0x1  }
0xf5: {  	[sflag:s12] =	ssyncset.done $0x0  }
0xf6: {  	[sflag:s12] =	ssyncadd.s32 $0xFFFF3800  }
0xf7: {  	_ =	sfence.sel $0x180000  }
0xf8: {  	[bflag:$0x0] =	sbarrier.arrive $0xFFFF  }
0xf9: {  	_ =	strace $0x90000047  }
0xfa: {  	s0 =	stileid.u32;
	[bflag:$0x2] =	sbarrier.arrive $0xFFFF  }
0xfb: {  	p0 =	sne.s32 s0, $0x0;
	s0 =	rddreg [dreg:$0x2]  }
0xfc: {  	s0 =	sadd.s32 @!p0 $0x100000, s0  }
0xfd: {  	[sflag:s0] =	ssyncadd.tile.s32 @!p0 $0x1;
	_ =	shalt  }
.Lfunc_end2:
_tile_overlayer_lowered:
.L_overlay_start_2:
0xfe: {  	(tag) =	ssettag $0x2  }
0xff: {  	s0 =	rddreg [dreg:$0x0];
	s2 =	stileid.u32  }
0x100: {  	s1 =	rddreg [dreg:$0x1];
	p0 =	sne.s32 s2, $0x0  }
0x101: {  	s3 =	rddreg [dreg:$0x2];
	[bflag:$0x3] =	sbarrier.arrive $0xFFFF;
	s2 =	simm.s32 @!p0 $0x1C09  }
0x102: {  	[timem:s3], [sflag:s2] =	dma.local @!p0 [hbm:s0], s1  }
0x103: {  	s0 =	simm.s32 @!p0 $0x9  }
0x104: {  	_ =	swait.ge @!p0 [sflag:s0], s1  }
0x105: {  	s1 =	ssub.s32 @!p0 $0x0, s1;
	[sflag:s0] =	ssyncset.done @!p0 $0x0  }
0x106: {  	[sflag:s0] =	ssyncadd.s32 @!p0 s1  }
0x107: {  	[bflag:$0x3] =	sbarrier.arrive $0xFFFF  }
0x108: {  	_ =	shalt  }

// kernel: sparse-core-data-format-call.cloned.1.call-start
scs
called_computation_lowered:
.L_overlay_start_0:
0x0: {  	s2 =	sld [smem:$0x3FD9]  }
0x1: {  	s3 =	sld [smem:$0x3FFE];
	_ =	sdelay $0x1  }
0x2: {  	s1 =	srdreg.scid  }
0x3: {  	s0 =	sand.u32 $0x1, s1  }
0x4: {  	s18 =	sshll.u32 s0, $0xA;
	s2 =	sadd.s32 s3, s2  }
0x5: {  	s2 =	sadd.s32 s2, s18  }
0x6: {  	[smem:$0x3FC6] =	sst s2  }
0x7: {  	_ = 	snop  }
0x8: {  	s2 =	sld [smem:$0x3FD0];
	(tm) =	ssettm $0x1  }
0x9: {  	s19 =	sld [smem:$0x3FFB];
	_ =	sdelay $0x3  }
0xa: {  	_ =	strace s19  }
0xb: {  	s3 =	sld [smem:$0x3FFC];
	_ =	sdelay $0x3  }
0xc: {  	_ =	strace s3  }
0xd: {  	s3 =	sld [smem:$0x3FFD];
	_ =	sdelay $0x3  }
0xe: {  	_ =	strace s3  }
0xf: {  	_ =	strace $0x8FFFFFFF  }
0x10: {  	s20 =	sld [smem:$0x3FDB];
	_ =	sdelay $0x1  }
0x11: {  	s4 =	simm.s32 $_scs_section_size  }
0x12: {  	s5 =	simm.s32 $_size__tile_overlayer_lowered;
	s6 =	simm.s32 $_tile_overlayer_lowered  }
0x13: {  	s23 =	simm.s32 $0x1BFF;
	s22 =	sshll.u32 s6, $0x1;
	s3 =	sadd.s32 s4, s20  }
0x14: {  	s7 =	simm.s32 $0x0;
	s21 =	sshll.u32 s5, $0x1;
	s5 =	sadd.s32 s22, s3  }
0x15: {  	[timem:s7], [sflag:s23] =	dma.local [hbm:s5], s21  }
0x16: {  	_ =	swait.ge [sflag:s23], s21  }
0x17: {  	s4 =	ssub.s32 $0x0, s21;
	[sflag:s23] =	ssyncset.done $0x0  }
0x18: {  	[sflag:s23] =	ssyncadd.s32 s4;
	_ =	sdelay $0x1  }
0x19: {  	s24 =	simm.s32 $0x1B8B  }
0x1a: {  	_ =	swait.ge [sflag:s24], $0x1  }
0x1b: {  	[sflag:s24] =	ssyncset.done $0x0  }
0x1c: {  	s26 =	simm.s32 $0x1B8E;
	s25 =	sld [smem:$0x3FFE];
	[sflag:s24] =	ssyncadd.s32 $0xFFFFFFFF  }
0x1d: {  	s27 =	simm.s32 $execute0_lowered;
	[smem:$0x3FD2] =	sst s26  }
0x1e: {  	s5 =	sshll.u32 s27, $0x1;
	_ =	strace $0x80000049;
	[dreg:$0x1] =	wrdreg $0xFFFFFFFF  }
0x1f: {  	s28 =	simm.s32 $_size_execute0_lowered;
	s3 =	sadd.s32 s3, s5;
	[dreg:$0x0] =	wrdreg $0x0  }
0x20: {  	s5 =	sshll.u32 s28, $0x1;
	[dreg:$0x2] =	wrdreg s3  }
0x21: {  	[dreg:$0x3] =	wrdreg s5  }
0x22: {  	[dreg:$0x4] =	wrdreg $0xC0  }
0x23: {  	_ =	task [dreg:s7], $0x5FFFF  }
0x24: {  	[dreg:$0x1] =	wrdreg $0xFFFFFFFF  }
0x25: {  	[dreg:$0x0] =	wrdreg $0x60  }
0x26: {  	[dreg:$0x2] =	wrdreg s25  }
0x27: {  	[dreg:$0x3] =	wrdreg s2  }
0x28: {  	[dreg:$0x4] =	wrdreg $0x9  }
0x29: {  	_ =	task.clear_ibuf [dreg:s7], $0x5FFFF;
	_ =	strace $0x90000049  }
0x2a: {  	s29 =	simm.s32 $0x9;
	_ =	strace $0x8000004B  }
0x2b: {  	_ =	swait.ge [sflag:s29], $0x1  }
0x2c: {  	[sflag:s29] =	ssyncadd.s32 $0xFFFFFFFF  }
0x2d: {  	_ =	strace $0x9000004B  }
0x2e: {  	_ =	sfence  }
0x2f: {  	s30 =	sld [smem:$0x0];
	_ =	sdelay $0x2  }
0x30: {  	s31 =	sshll.u32 s1, $0xD;
	s1 =	sshrl.u32 s1, $0x2  }
0x31: {  	s3 =	sand.u32 $0x4000, s31;
	s1 =	sadd.s32 s1, s30  }
0x32: {  	s0 =	sor.u32 s3, s0;
	s1 =	sshll.u32 s1, $0x11  }
0x33: {  	s0 =	sor.u32 s1, s0  }
0x34: {  	s0 =	sadd.s32 $0x8F2B, s0  }
0x35: {  	[sflag:s0] =	ssyncadd.remote.s32 $0x1  }
0x36: {  	_ =	sfence.sel $0xFFFF  }
0x37: {  	[dreg:$0x0] =	wrdreg $0xFFFFFFFF;
	(pc) =	sbr.abs _section_cstart, $3  }
0x38: {  	[dreg:$0x1] =	wrdreg $0xFFFFFFFF  }
0x39: {  	_ =	task.clear_ibuf [dreg:s7], $0x2FFFF;
	_ =	strace $0x9FFFFFFF  }
0x3a: {  	(tm) =	ssettm $0x7FFFFFFF  }
0x3b: {  	_ =	shalt  }
tec
execute0_lowered:
.L_overlay_start_1:
0x0: {  	(tag) =	ssettag $0x1  }
0x1: {  	s0 =	srdreg.scid  }
0x2: {  	s1 =	sshll.u32 s0, $0x4  }
0x3: {  	s0 =	stileid.u32;
	s1 =	sand.u32 $0x10, s1  }
0x4: {  	s1 =	sor.u32 s0, s1  }
0x5: {  	s6 =	rddreg [dreg:$0x0];
	s4 =	simm.s32 $0x1;
	s2 =	sshll.u32 s1, $0x7  }
0x6: {  	s7 =	simm.s32 $0x2;
	s12 =	simm.s32 $0x0;
	s1 =	ssub.s32 $0x4000, s2  }
0x7: {  	s8 =	simm.s32 $0x20000;
	s13 =	simm.s32 $0x0;
	s3 =	sand.u32 $0xF80, s1  }
0x8: {  	s9 =	simm.s32 $0x0;
	s5 =	sshrl.u32 s1, $0xC;
	p0 =	sne.s32 s3, $0x0  }
.Ltmp0:
0x9: {  	s1 =	rddreg [dreg:$0x2];
	s4 =	simm.s32 @!p0 $0x0;
	(pc) =	sbr.rel .LBB1_1-.Ltmp0, $4  }
0xa: {  	s11 =	simm.s32 $0x0;
	s3 =	rddreg [dreg:$0x1];
	s5 =	sadd.s32 s4, s5  }
0xb: {  	_ =	strace $0x8000004A;
	s4 =	simm.s32 $0x1;
	s5 =	smul.u32 $0xC8, s5  }
0xc: {  	s6 =	sadd.s32 $0x800, s6;
	s10 =	smov.u32 s2;
	[sflag:s4] =	ssyncpa.u1 $0x0  }
0xd: {  	p0 =	por $0x0, $0x0;
	[sflag:s7] =	ssyncpa.u1 $0x0;
	s7 =	sor.u32 $0x1, s5  }
.LBB1_4:
0xe: {  	s16 =	sshll.u32 s13, $0x3;
	s17 =	sand.u32 $0x78, s13  }
0xf: {  	s30 =	sand.u32 $0xF800, s13;
	s12 =	sshll.u32 s12, $0x10;
	s16 =	sand.u32 $0x3C00, s16  }
0x10: {  	s31 =	sand.u32 $0x7, s13;
	s16 =	sor.u32 s17, s16;
	s17 =	sadd.s32 s3, s30  }
0x11: {  	s13 =	sshll.u32 s31, $0x12;
	s16 =	sshrl.u32 s16, $0x3;
	s12 =	sadd.s32 s12, s17  }
0x12: {  	[tilespmem:s15+$0x0 ss:$0x81] =	vst.msk $0xffff, v0;
	s13 =	sor.u32 $0x400, s13;
	s12 =	sadd.s32 s16, s12  }
0x13: {  	[hbm4b:s12+s13] =	stream.strided.scatter [tilespmem:s14], [sflag:$0x2], $0x1000, s8, s13, $0x20;
	[tilespmem:$0x4040] =	vst v63  }
.LBB1_5:
0x14: {  	s14 =	sadd.s32 $0x1, s9  }
0x15: {  	s12 =	sadd.s32 $0x1000, s10;
	s16 =	smov.u32 s10;
	p2 =	sgt.s32 s14, $0xC7  }
0x16: {  	s16 =	smov.u32 @p2 s12  }
0x17: {  	s14 =	simm.s32 @p2 $0x0;
	p2 =	sgt.s32 s16, $0x3FFF  }
0x18: {  	s16 =	smov.u32 @p2 s2;
	p2 =	sne.s32 s11, s7  }
.Ltmp1:
0x19: {  	p1 =	slt.u32 s11, $0x2;
	(pc) =	sbr.rel @!p2 .LBB1_6-.Ltmp1, $4  }
0x1a: {  	s15 =	simm.s32 @!p1 $0x2  }
0x1b: {  	s13 =	smov.u32 s10;
	p0 =	por !p0, !p0;
	_ =	swait.ge @!p1 [sflag:s15], $0x1000  }
0x1c: {  	s12 =	smov.u32 s9;
	[sflag:s15] =	ssyncset.done @!p1 $0x0;
	s9 =	smov.u32 s14  }
0x1d: {  	s11 =	sadd.s32 $0x1, s11;
	[sflag:s15] =	ssyncadd.s32 @!p1 $0xFFFFF000;
	s10 =	smov.u32 s16  }
.LBB1_1:
0x1e: {  	p1 =	sge.u32 s11, s5  }
0x1f: {  	s14 =	sand.u32 @!p1 $0x1FFFFFF, s9  }
0x20: {  	s15 =	smulhi.u32 @!p1 $0x147AE15, s14;
	_ =	sdelay $0x1  }
0x21: {  	s15 =	smul.u32 @!p1 $0xC8, s15  }
0x22: {  	s16 =	sxor.u32 @!p1 $0xFFFFFFFF, s11;
	s17 =	smul.u32 @!p1 $0xC80, s10  }
0x23: {  	s31 =	sadd.s32 $0xFFFFFFFF, s11;
	s16 =	sshll.u32 @!p1 s16, $0xC;
	s14 =	ssub.s32 @!p1 s14, s15  }
0x24: {  	s15 =	sand.u32 @!p1 $0x1000, s16;
	s16 =	sadd.s32 @!p1 s6, s17;
	s14 =	sshll.u32 @!p1 s14, $0x4  }
0x25: {  	s17 =	simm.s32 @!p1 $0x6400;
	s14 =	sadd.s32 @!p1 s14, s16;
	s16 =	simm.s32 @!p1 $0x20  }
0x26: {  	[tilespmem:s15], [sflag:$0x1] =	stream.strided.gather @!p1 [hbm4b:s14+s16], $0x1000, s17, s16, $0x38;
	[tilespmem:$0x4040] =	vst v63  }
0x27: {  	p1 =	sge.u32 s31, s5  }
.Ltmp2:
0x28: {  	_ = 	snop;
	(pc) =	sbr.rel @p1 .LBB1_5-.Ltmp2, $1  }
0x29: {  	_ =	sdelay $0x3  }
0x2a: {  	s14 =	simm.s32 $0x1  }
0x2b: {  	_ =	swait.ge [sflag:s4], $0x1000;
	s14 =	simm.s32 @!p0 $0x0  }
0x2c: {  	[sflag:s4] =	ssyncset.done $0x0;
	s15 =	sshll.u32 s14, $0xC  }
0x2d: {  	[sflag:s4] =	ssyncadd.s32 $0xFFFFF000;
	s18 =	sor.u32 $0x10, s15  }
0x2e: {  	s14 =	smul.u32 $0x4080, s14;
	v1 =	vld [tilespmem:s18+$0x0]  }
0x2f: {  	s30 =	sand.u32 $0x1, s11;
	v0 =	vld [tilespmem:s18+$0xFFFFFFF0]  }
0x30: {  	s15 =	smul.u32 $0x4080, s30;
	s14 =	sshrl.u32 s14, $0x2  }
0x31: {  	s16 =	sor.u32 $0x2000, s14  }
0x32: {  	s31 =	sshrl.u32 s15, $0x2;
	s15 =	sadd.s32 $0x0, s16  }
0x33: {  	s17 =	simm.s32 $0x4;
	s18 =	sadd.s32 $0x20, s18;
	s14 =	sor.u32 $0x2000, s31;
	[tilespmem:s15+$0x810 ss:$0x81] =	vst.msk $0xffff, v1  }
.LBB1_3:
0x34: {  	v1 =	vld [tilespmem:s18+$0x0];
	p1 =	sne.s32 s17, $0x1FC;
	[tilespmem:s15+$0x0 ss:$0x81] =	vst.msk $0xffff, v0;
	s15 =	smov.u32 s17;
	s17 =	sadd.s32 $0x4, s17  }
.Ltmp3:
0x35: {  	v0 =	vld [tilespmem:s18+$0xFFFFFFF0];
	(pc) =	sbr.rel @p1 .LBB1_3-.Ltmp3, $4  }
0x36: {  	_ = 	snop  }
0x37: {  	s15 =	sshra.s32 s15, $0x2  }
0x38: {  	s15 =	sadd.s32 s15, s16  }
0x39: {  	s18 =	sadd.s32 $0x20, s18;
	[tilespmem:s15+$0x810 ss:$0x81] =	vst.msk $0xffff, v1  }
.Ltmp4:
0x3a: {  	_ = 	snop;
	(pc) =	sbr.rel .LBB1_4-.Ltmp4, $1  }
0x3b: {  	_ =	sdelay $0x3  }
.LBB1_6:
0x3c: {  	_ =	sfence.sel $0x180000  }
0x3d: {  	s2 =	simm.s32 $0x1;
	[bflag:$0x0] =	sbarrier.arrive $0xFFFF  }
0x3e: {  	s31 =	simm.s32 $0x2;
	[sflag:s2] =	ssyncpa.u1 $0x1  }
0x3f: {  	[sflag:s31] =	ssyncpa.u1 $0x1  }
0x40: {  	p0 =	sne.s32 s0, $0x0;
	_ =	strace $0x9000004A  }
0x41: {  	s0 =	sadd.s32 @!p0 $0x100000, s1;
	[bflag:$0x2] =	sbarrier.arrive $0xFFFF  }
0x42: {  	[sflag:s0] =	ssyncadd.tile.s32 @!p0 $0x1;
	_ =	shalt  }
.Lfunc_end1:
_tile_overlayer_lowered:
.L_overlay_start_2:
0x43: {  	(tag) =	ssettag $0x2  }
0x44: {  	s0 =	rddreg [dreg:$0x0];
	s2 =	stileid.u32  }
0x45: {  	s1 =	rddreg [dreg:$0x1];
	p0 =	sne.s32 s2, $0x0  }
0x46: {  	s3 =	rddreg [dreg:$0x2];
	[bflag:$0x3] =	sbarrier.arrive $0xFFFF;
	s2 =	simm.s32 @!p0 $0x1C01  }
0x47: {  	[timem:s3], [sflag:s2] =	dma.local @!p0 [hbm:s0], s1  }
0x48: {  	s0 =	simm.s32 @!p0 $0x1  }
0x49: {  	_ =	swait.ge @!p0 [sflag:s0], s1  }
0x4a: {  	s1 =	ssub.s32 @!p0 $0x0, s1;
	[sflag:s0] =	ssyncset.done @!p0 $0x0  }
0x4b: {  	[sflag:s0] =	ssyncadd.s32 @!p0 s1  }
0x4c: {  	[bflag:$0x3] =	sbarrier.arrive $0xFFFF  }
0x4d: {  	_ =	shalt  }

</sc_bundles>
